<compile_context>
chip_gen: v7x
topology: tpu7x:2x2x1
jax: 0.10.2.dev20260603
libtpu: 0.0.44.dev20260713+nightly
codegen_flags: <defaults>
</compile_context>

<pallas_src>
import functools

import jax
import jax.numpy as jnp
from jax import lax
from jax.experimental import pallas as pl
from jax.experimental.pallas import tpu as pltpu
from jax.experimental.pallas import tpu_sc as plsc

_NC = 2
_NS = 16
_NW = _NC * _NS


def _gather_body(ut_hbm, it_hbm, uidx_hbm, iidx_hbm, ue_hbm, ie_hbm,
                 idx_v, rows, sem, *, bpw):
    wid = lax.axis_index("s") * _NC + lax.axis_index("c")
    base = wid * bpw
    for tab, idxh, outh in ((ut_hbm, uidx_hbm, ue_hbm),
                            (it_hbm, iidx_hbm, ie_hbm)):
        pltpu.sync_copy(idxh.at[wid], idx_v)

        def issue(kb, carry, tab=tab):
            vu = idx_v[pl.ds(kb * 16, 16)]
            for l in range(16):
                pltpu.async_copy(tab.at[vu[l]], rows.at[kb * 16 + l], sem)
            return carry

        lax.fori_loop(0, bpw // 16, issue, 0)
        pltpu.make_async_copy(tab.at[pl.ds(0, bpw)], rows, sem).wait()
        pltpu.sync_copy(rows, outh.at[pl.ds(base, bpw)])


def _sc_gather(user_table, item_table, uidx, iidx):
    batch = uidx.shape[0]
    dim = user_table.shape[1]
    bpw = batch // _NW
    mesh = plsc.VectorSubcoreMesh(core_axis_name="c", subcore_axis_name="s")
    uidx2 = uidx.astype(jnp.int32).reshape(_NW, bpw)
    iidx2 = iidx.astype(jnp.int32).reshape(_NW, bpw)
    body = functools.partial(_gather_body, bpw=bpw)
    fn = pl.kernel(
        body,
        out_type=(jax.ShapeDtypeStruct((batch, dim), jnp.float32),
                  jax.ShapeDtypeStruct((batch, dim), jnp.float32)),
        mesh=mesh,
        scratch_types=[
            pltpu.VMEM((bpw,), jnp.int32),
            pltpu.VMEM((bpw, dim), jnp.float32),
            pltpu.SemaphoreType.DMA,
        ],
    )
    return fn(user_table, item_table, uidx2, iidx2)


def _mlp_body(ue_ref, ie_ref, w0u_ref, w0i_ref, b0_ref, w1_ref, b1_ref,
              w2_ref, b2_ref, wo_ref, bo_ref, out_ref):
    h = (jnp.dot(ue_ref[...], w0u_ref[...], preferred_element_type=jnp.float32)
         + jnp.dot(ie_ref[...], w0i_ref[...], preferred_element_type=jnp.float32)
         + b0_ref[...])
    h = jnp.maximum(h, 0.0)
    h = jnp.dot(h, w1_ref[...], preferred_element_type=jnp.float32) + b1_ref[...]
    h = jnp.maximum(h, 0.0)
    h = jnp.dot(h, w2_ref[...], preferred_element_type=jnp.float32) + b2_ref[...]
    h = jnp.maximum(h, 0.0)
    logits = jnp.sum(h * wo_ref[...], axis=1, keepdims=True) + bo_ref[...]
    out_ref[...] = jax.nn.sigmoid(logits)


def _mlp(ue, ie, W0, b0, W1, b1, W2, b2, Wo, bo):
    batch, dim = ue.shape
    bt = 2048
    d0 = W0.shape[1]
    d1 = W1.shape[1]
    d2 = W2.shape[1]
    w0u = W0[:dim]
    w0i = W0[dim:]
    out = pl.pallas_call(
        _mlp_body,
        grid=(batch // bt,),
        in_specs=[
            pl.BlockSpec((bt, dim), lambda i: (i, 0)),
            pl.BlockSpec((bt, dim), lambda i: (i, 0)),
            pl.BlockSpec((dim, d0), lambda i: (0, 0)),
            pl.BlockSpec((dim, d0), lambda i: (0, 0)),
            pl.BlockSpec((1, d0), lambda i: (0, 0)),
            pl.BlockSpec((d0, d1), lambda i: (0, 0)),
            pl.BlockSpec((1, d1), lambda i: (0, 0)),
            pl.BlockSpec((d1, d2), lambda i: (0, 0)),
            pl.BlockSpec((1, d2), lambda i: (0, 0)),
            pl.BlockSpec((1, d2), lambda i: (0, 0)),
            pl.BlockSpec((1, 1), lambda i: (0, 0)),
        ],
        out_specs=pl.BlockSpec((bt, 1), lambda i: (i, 0)),
        out_shape=jax.ShapeDtypeStruct((batch, 1), jnp.float32),
    )(ue, ie, w0u, w0i, b0.reshape(1, d0), W1, b1.reshape(1, d1),
      W2, b2.reshape(1, d2), Wo.reshape(1, d2), bo.reshape(1, 1))
    return out[:, 0]


def kernel(user_indices, item_indices, user_table, item_table,
           W0, b0, W1, b1, W2, b2, Wo, bo):
    ue, ie = _sc_gather(user_table, item_table, user_indices, item_indices)
    return _mlp(ue, ie, W0, b0, W1, b1, W2, b2, Wo, bo)

# --- scband reference (transcript-rebuilt; emitter-appended) ---
"""Pipeline reference for scband-ncf-46102178955472 (READ-ONLY COPY).

The authoritative reference and input builder live on the scoring server;
editing this copy changes nothing except your own understanding.
"""

import jax, jax.numpy as jnp
import numpy as np

NUM_USERS = 1000000
NUM_ITEMS = 1000000
EMBED_DIM = 64
MLP_LAYERS = [128, 64, 32]
BATCH = 16384


def setup_inputs(seed: int = 0) -> dict:
    key = jax.random.key(seed)
    ks = jax.random.split(key, 16)
    user_indices = jax.random.randint(ks[0], (BATCH,), 0, NUM_USERS, dtype=jnp.int64 if jax.config.jax_enable_x64 else jnp.int32)
    item_indices = jax.random.randint(ks[1], (BATCH,), 0, NUM_ITEMS, dtype=jnp.int64 if jax.config.jax_enable_x64 else jnp.int32)
    user_table = jax.random.normal(ks[2], (NUM_USERS, EMBED_DIM), dtype=jnp.float32) * 0.05
    item_table = jax.random.normal(ks[3], (NUM_ITEMS, EMBED_DIM), dtype=jnp.float32) * 0.05
    dims = [EMBED_DIM * 2] + MLP_LAYERS
    params = {}
    for i in range(len(MLP_LAYERS)):
        fan_in = dims[i]
        bound = 1.0 / np.sqrt(fan_in)
        params[f"W{i}"] = jax.random.uniform(ks[4 + 2 * i], (dims[i], dims[i + 1]), jnp.float32, -bound, bound)
        params[f"b{i}"] = jax.random.uniform(ks[5 + 2 * i], (dims[i + 1],), jnp.float32, -bound, bound)
    bound_o = 1.0 / np.sqrt(MLP_LAYERS[-1])
    Wo = jax.random.uniform(ks[10], (MLP_LAYERS[-1], 1), jnp.float32, -bound_o, bound_o)
    bo = jax.random.uniform(ks[11], (1,), jnp.float32, -bound_o, bound_o)
    return {
        "user_indices": user_indices,
        "item_indices": item_indices,
        "user_table": user_table,
        "item_table": item_table,
        "W0": params["W0"], "b0": params["b0"],
        "W1": params["W1"], "b1": params["b1"],
        "W2": params["W2"], "b2": params["b2"],
        "Wo": Wo, "bo": bo,
    }


def reference(user_indices, item_indices, user_table, item_table,
              W0, b0, W1, b1, W2, b2, Wo, bo):
    # Embedding lookups (SparseCore gather)
    user_embedded = jnp.take(user_table, user_indices, axis=0)
    item_embedded = jnp.take(item_table, item_indices, axis=0)
    vector = jnp.concatenate([user_embedded, item_embedded], axis=-1)
    # MLP tower; dropout is identity in eval/inference mode
    for W, b in ((W0, b0), (W1, b1), (W2, b2)):
        vector = vector @ W + b
        vector = jax.nn.relu(vector)
    prediction = vector @ Wo + bo
    return jnp.squeeze(jax.nn.sigmoid(prediction), axis=-1)

if __name__ == "__main__":
    import jax
    _d = setup_inputs()
    print(jax.jit(kernel)(*tuple(_d.values())))

</pallas_src>

<mosaic_0001>
#map = affine_map<(d0, d1) -> (0, 0)>
module attributes {stable_mosaic.version = 14 : i64} {
  func.func @_gather_body(%arg0: i32, %arg1: i32, %arg2: memref<1000000x64xf32, #tpu.memory_space<hbm>>, %arg3: memref<1000000x64xf32, #tpu.memory_space<hbm>>, %arg4: memref<32x512xi32, #tpu.memory_space<hbm>>, %arg5: memref<32x512xi32, #tpu.memory_space<hbm>>, %arg6: memref<16384x64xf32, #tpu.memory_space<hbm>>, %arg7: memref<16384x64xf32, #tpu.memory_space<hbm>>, %arg8: memref<512xi32, #tpu.memory_space<vmem>>, %arg9: memref<512x64xf32, #tpu.memory_space<vmem>>, %arg10: memref<!tpu.dma_semaphore, #tpu.memory_space<semaphore_mem>>) attributes {dimension_semantics = [#tpu.dimension_semantics<core_parallel>, #tpu.dimension_semantics<subcore_parallel>], iteration_bounds = array<i64: 2, 16>, scalar_prefetch = 0 : i64, scratch_operands = 3 : i64, tpu.core_type = #tpu.core_type<sc_vector_subcore>, window_params = [{transform_indices = #map}, {transform_indices = #map}, {transform_indices = #map}, {transform_indices = #map}, {transform_indices = #map}, {transform_indices = #map}]} {
    %mul3A = arith.constant 2 : i32
    %mul3A_0 = arith.muli %arg1, %mul3A : i32
    %add3A = arith.addi %mul3A_0, %arg0 : i32
    %mul3A_1 = arith.constant 512 : i32
    %mul3A_2 = arith.muli %add3A, %mul3A_1 : i32
    "tpu.region"() ({
      %run_scoped3A = tpu.sem_alloc : memref<!tpu.dma_semaphore, #tpu.memory_space<semaphore_mem>>
      %dma_start3A = arith.constant 0 : i32
      %dma_start3A_25 = tpu.memref_slice %arg4[%add3A, %dma_start3A] : memref<32x512xi32, #tpu.memory_space<hbm>> -> memref<1x512xi32, #tpu.memory_space<hbm>>
      %dma_start3A_26 = tpu.memref_squeeze %dma_start3A_25 : memref<1x512xi32, #tpu.memory_space<hbm>> -> memref<512xi32, #tpu.memory_space<hbm>>
      %dma_start3A_27 = arith.constant 0 : i32
      %dma_start3A_28 = tpu.memref_slice %arg4[%add3A, %dma_start3A_27] : memref<32x512xi32, #tpu.memory_space<hbm>> -> memref<1x512xi32, #tpu.memory_space<hbm>>
      %dma_start3A_29 = tpu.memref_squeeze %dma_start3A_28 : memref<1x512xi32, #tpu.memory_space<hbm>> -> memref<512xi32, #tpu.memory_space<hbm>>
      tpu.enqueue_dma source(%dma_start3A_29 : memref<512xi32, #tpu.memory_space<hbm>>) target(%arg8 : memref<512xi32, #tpu.memory_space<vmem>>) target_semaphore(%run_scoped3A : memref<!tpu.dma_semaphore, #tpu.memory_space<semaphore_mem>>)
      %dma_wait3A_30 = arith.constant 0 : i32
      %dma_wait3A_31 = tpu.memref_slice %arg4[%add3A, %dma_wait3A_30] : memref<32x512xi32, #tpu.memory_space<hbm>> -> memref<1x512xi32, #tpu.memory_space<hbm>>
      %dma_wait3A_32 = tpu.memref_squeeze %dma_wait3A_31 : memref<1x512xi32, #tpu.memory_space<hbm>> -> memref<512xi32, #tpu.memory_space<hbm>>
      %dma_wait3A_33 = arith.constant 0 : i32
      %dma_wait3A_34 = tpu.memref_slice %arg4[%add3A, %dma_wait3A_33] : memref<32x512xi32, #tpu.memory_space<hbm>> -> memref<1x512xi32, #tpu.memory_space<hbm>>
      %dma_wait3A_35 = tpu.memref_squeeze %dma_wait3A_34 : memref<1x512xi32, #tpu.memory_space<hbm>> -> memref<512xi32, #tpu.memory_space<hbm>>
      tpu.wait_dma2 semaphore(%run_scoped3A : memref<!tpu.dma_semaphore, #tpu.memory_space<semaphore_mem>>) src(%dma_wait3A_35 : memref<512xi32, #tpu.memory_space<hbm>>) dst(%arg8 : memref<512xi32, #tpu.memory_space<vmem>>)
      tpu.yield
    }) : () -> ()
    %scan3A = arith.constant 0 : i32
    %scan3A_3 = arith.constant 0 : i32
    %scan3A_4 = arith.constant 32 : i32
    %scan3A_5 = arith.addi %scan3A_3, %scan3A_4 : i32
    %scan3A_6 = arith.constant 1 : i32
    scf.for %scan3A_25 = %scan3A_3 to %scan3A_5 step %scan3A_6  : i32 {
      %mul3A_26 = arith.constant 16 : i32
      %mul3A_27 = arith.muli %scan3A_25, %mul3A_26 : i32
      %get3A = arith.index_cast %mul3A_27 : i32 to index
      %get3A_28 = tpu.vector_load %arg8[%get3A] {strides = array<i32>} : memref<512xi32, #tpu.memory_space<vmem>>, vector<16xi32>,
      %get3A_29 = vector.shape_cast %get3A_28 : vector<16xi32> to vector<16xi32>
      %slice3A = vector.extract_strided_slice %get3A_29 {offsets = [0], sizes = [1], strides = [1]} : vector<16xi32> to vector<1xi32>
      %squeeze3A = vector.extract %slice3A[0] : i32 from vector<1xi32>
      %mul3A_30 = arith.constant 16 : i32
      %mul3A_31 = arith.muli %scan3A_25, %mul3A_30 : i32
      %add3A_32 = arith.constant 0 : i32
      %add3A_33 = arith.addi %mul3A_31, %add3A_32 : i32
      %dma_start3A = arith.constant 0 : i32
      %dma_start3A_34 = tpu.memref_slice %arg9[%add3A_33, %dma_start3A] : memref<512x64xf32, #tpu.memory_space<vmem>> -> memref<1x64xf32, #tpu.memory_space<vmem>>
      %dma_start3A_35 = tpu.memref_squeeze %dma_start3A_34 : memref<1x64xf32, #tpu.memory_space<vmem>> -> memref<64xf32, #tpu.memory_space<vmem>>
      %dma_start3A_36 = arith.constant 0 : i32
      %dma_start3A_37 = tpu.memref_slice %arg2[%squeeze3A, %dma_start3A_36] : memref<1000000x64xf32, #tpu.memory_space<hbm>> -> memref<1x64xf32, #tpu.memory_space<hbm>>
      %dma_start3A_38 = tpu.memref_squeeze %dma_start3A_37 : memref<1x64xf32, #tpu.memory_space<hbm>> -> memref<64xf32, #tpu.memory_space<hbm>>
      %dma_start3A_39 = arith.constant 0 : i32
      %dma_start3A_40 = tpu.memref_slice %arg9[%add3A_33, %dma_start3A_39] : memref<512x64xf32, #tpu.memory_space<vmem>> -> memref<1x64xf32, #tpu.memory_space<vmem>>
      %dma_start3A_41 = tpu.memref_squeeze %dma_start3A_40 : memref<1x64xf32, #tpu.memory_space<vmem>> -> memref<64xf32, #tpu.memory_space<vmem>>
      %dma_start3A_42 = arith.constant 0 : i32
      %dma_start3A_43 = tpu.memref_slice %arg2[%squeeze3A, %dma_start3A_42] : memref<1000000x64xf32, #tpu.memory_space<hbm>> -> memref<1x64xf32, #tpu.memory_space<hbm>>
      %dma_start3A_44 = tpu.memref_squeeze %dma_start3A_43 : memref<1x64xf32, #tpu.memory_space<hbm>> -> memref<64xf32, #tpu.memory_space<hbm>>
      tpu.enqueue_dma source(%dma_start3A_44 : memref<64xf32, #tpu.memory_space<hbm>>) target(%dma_start3A_41 : memref<64xf32, #tpu.memory_space<vmem>>) target_semaphore(%arg10 : memref<!tpu.dma_semaphore, #tpu.memory_space<semaphore_mem>>)
      %slice3A_45 = vector.extract_strided_slice %get3A_29 {offsets = [1], sizes = [1], strides = [1]} : vector<16xi32> to vector<1xi32>
      %squeeze3A_46 = vector.extract %slice3A_45[0] : i32 from vector<1xi32>
      %mul3A_47 = arith.constant 16 : i32
      %mul3A_48 = arith.muli %scan3A_25, %mul3A_47 : i32
      %add3A_49 = arith.constant 1 : i32
      %add3A_50 = arith.addi %mul3A_48, %add3A_49 : i32
      %dma_start3A_51 = arith.constant 0 : i32
      %dma_start3A_52 = tpu.memref_slice %arg9[%add3A_50, %dma_start3A_51] : memref<512x64xf32, #tpu.memory_space<vmem>> -> memref<1x64xf32, #tpu.memory_space<vmem>>
      %dma_start3A_53 = tpu.memref_squeeze %dma_start3A_52 : memref<1x64xf32, #tpu.memory_space<vmem>> -> memref<64xf32, #tpu.memory_space<vmem>>
      %dma_start3A_54 = arith.constant 0 : i32
      %dma_start3A_55 = tpu.memref_slice %arg2[%squeeze3A_46, %dma_start3A_54] : memref<1000000x64xf32, #tpu.memory_space<hbm>> -> memref<1x64xf32, #tpu.memory_space<hbm>>
      %dma_start3A_56 = tpu.memref_squeeze %dma_start3A_55 : memref<1x64xf32, #tpu.memory_space<hbm>> -> memref<64xf32, #tpu.memory_space<hbm>>
      %dma_start3A_57 = arith.constant 0 : i32
      %dma_start3A_58 = tpu.memref_slice %arg9[%add3A_50, %dma_start3A_57] : memref<512x64xf32, #tpu.memory_space<vmem>> -> memref<1x64xf32, #tpu.memory_space<vmem>>
      %dma_start3A_59 = tpu.memref_squeeze %dma_start3A_58 : memref<1x64xf32, #tpu.memory_space<vmem>> -> memref<64xf32, #tpu.memory_space<vmem>>
      %dma_start3A_60 = arith.constant 0 : i32
      %dma_start3A_61 = tpu.memref_slice %arg2[%squeeze3A_46, %dma_start3A_60] : memref<1000000x64xf32, #tpu.memory_space<hbm>> -> memref<1x64xf32, #tpu.memory_space<hbm>>
      %dma_start3A_62 = tpu.memref_squeeze %dma_start3A_61 : memref<1x64xf32, #tpu.memory_space<hbm>> -> memref<64xf32, #tpu.memory_space<hbm>>
      tpu.enqueue_dma source(%dma_start3A_62 : memref<64xf32, #tpu.memory_space<hbm>>) target(%dma_start3A_59 : memref<64xf32, #tpu.memory_space<vmem>>) target_semaphore(%arg10 : memref<!tpu.dma_semaphore, #tpu.memory_space<semaphore_mem>>)
      %slice3A_63 = vector.extract_strided_slice %get3A_29 {offsets = [2], sizes = [1], strides = [1]} : vector<16xi32> to vector<1xi32>
      %squeeze3A_64 = vector.extract %slice3A_63[0] : i32 from vector<1xi32>
      %mul3A_65 = arith.constant 16 : i32
      %mul3A_66 = arith.muli %scan3A_25, %mul3A_65 : i32
      %add3A_67 = arith.constant 2 : i32
      %add3A_68 = arith.addi %mul3A_66, %add3A_67 : i32
      %dma_start3A_69 = arith.constant 0 : i32
      %dma_start3A_70 = tpu.memref_slice %arg9[%add3A_68, %dma_start3A_69] : memref<512x64xf32, #tpu.memory_space<vmem>> -> memref<1x64xf32, #tpu.memory_space<vmem>>
      %dma_start3A_71 = tpu.memref_squeeze %dma_start3A_70 : memref<1x64xf32, #tpu.memory_space<vmem>> -> memref<64xf32, #tpu.memory_space<vmem>>
      %dma_start3A_72 = arith.constant 0 : i32
      %dma_start3A_73 = tpu.memref_slice %arg2[%squeeze3A_64, %dma_start3A_72] : memref<1000000x64xf32, #tpu.memory_space<hbm>> -> memref<1x64xf32, #tpu.memory_space<hbm>>
      %dma_start3A_74 = tpu.memref_squeeze %dma_start3A_73 : memref<1x64xf32, #tpu.memory_space<hbm>> -> memref<64xf32, #tpu.memory_space<hbm>>
      %dma_start3A_75 = arith.constant 0 : i32
      %dma_start3A_76 = tpu.memref_slice %arg9[%add3A_68, %dma_start3A_75] : memref<512x64xf32, #tpu.memory_space<vmem>> -> memref<1x64xf32, #tpu.memory_space<vmem>>
      %dma_start3A_77 = tpu.memref_squeeze %dma_start3A_76 : memref<1x64xf32, #tpu.memory_space<vmem>> -> memref<64xf32, #tpu.memory_space<vmem>>
      %dma_start3A_78 = arith.constant 0 : i32
      %dma_start3A_79 = tpu.memref_slice %arg2[%squeeze3A_64, %dma_start3A_78] : memref<1000000x64xf32, #tpu.memory_space<hbm>> -> memref<1x64xf32, #tpu.memory_space<hbm>>
      %dma_start3A_80 = tpu.memref_squeeze %dma_start3A_79 : memref<1x64xf32, #tpu.memory_space<hbm>> -> memref<64xf32, #tpu.memory_space<hbm>>
      tpu.enqueue_dma source(%dma_start3A_80 : memref<64xf32, #tpu.memory_space<hbm>>) target(%dma_start3A_77 : memref<64xf32, #tpu.memory_space<vmem>>) target_semaphore(%arg10 : memref<!tpu.dma_semaphore, #tpu.memory_space<semaphore_mem>>)
      %slice3A_81 = vector.extract_strided_slice %get3A_29 {offsets = [3], sizes = [1], strides = [1]} : vector<16xi32> to vector<1xi32>
      %squeeze3A_82 = vector.extract %slice3A_81[0] : i32 from vector<1xi32>
      %mul3A_83 = arith.constant 16 : i32
      %mul3A_84 = arith.muli %scan3A_25, %mul3A_83 : i32
      %add3A_85 = arith.constant 3 : i32
      %add3A_86 = arith.addi %mul3A_84, %add3A_85 : i32
      %dma_start3A_87 = arith.constant 0 : i32
      %dma_start3A_88 = tpu.memref_slice %arg9[%add3A_86, %dma_start3A_87] : memref<512x64xf32, #tpu.memory_space<vmem>> -> memref<1x64xf32, #tpu.memory_space<vmem>>
      %dma_start3A_89 = tpu.memref_squeeze %dma_start3A_88 : memref<1x64xf32, #tpu.memory_space<vmem>> -> memref<64xf32, #tpu.memory_space<vmem>>
      %dma_start3A_90 = arith.constant 0 : i32
      %dma_start3A_91 = tpu.memref_slice %arg2[%squeeze3A_82, %dma_start3A_90] : memref<1000000x64xf32, #tpu.memory_space<hbm>> -> memref<1x64xf32, #tpu.memory_space<hbm>>
      %dma_start3A_92 = tpu.memref_squeeze %dma_start3A_91 : memref<1x64xf32, #tpu.memory_space<hbm>> -> memref<64xf32, #tpu.memory_space<hbm>>
      %dma_start3A_93 = arith.constant 0 : i32
      %dma_start3A_94 = tpu.memref_slice %arg9[%add3A_86, %dma_start3A_93] : memref<512x64xf32, #tpu.memory_space<vmem>> -> memref<1x64xf32, #tpu.memory_space<vmem>>
      %dma_start3A_95 = tpu.memref_squeeze %dma_start3A_94 : memref<1x64xf32, #tpu.memory_space<vmem>> -> memref<64xf32, #tpu.memory_space<vmem>>
      %dma_start3A_96 = arith.constant 0 : i32
      %dma_start3A_97 = tpu.memref_slice %arg2[%squeeze3A_82, %dma_start3A_96] : memref<1000000x64xf32, #tpu.memory_space<hbm>> -> memref<1x64xf32, #tpu.memory_space<hbm>>
      %dma_start3A_98 = tpu.memref_squeeze %dma_start3A_97 : memref<1x64xf32, #tpu.memory_space<hbm>> -> memref<64xf32, #tpu.memory_space<hbm>>
      tpu.enqueue_dma source(%dma_start3A_98 : memref<64xf32, #tpu.memory_space<hbm>>) target(%dma_start3A_95 : memref<64xf32, #tpu.memory_space<vmem>>) target_semaphore(%arg10 : memref<!tpu.dma_semaphore, #tpu.memory_space<semaphore_mem>>)
      %slice3A_99 = vector.extract_strided_slice %get3A_29 {offsets = [4], sizes = [1], strides = [1]} : vector<16xi32> to vector<1xi32>
      %squeeze3A_100 = vector.extract %slice3A_99[0] : i32 from vector<1xi32>
      %mul3A_101 = arith.constant 16 : i32
      %mul3A_102 = arith.muli %scan3A_25, %mul3A_101 : i32
      %add3A_103 = arith.constant 4 : i32
      %add3A_104 = arith.addi %mul3A_102, %add3A_103 : i32
      %dma_start3A_105 = arith.constant 0 : i32
      %dma_start3A_106 = tpu.memref_slice %arg9[%add3A_104, %dma_start3A_105] : memref<512x64xf32, #tpu.memory_space<vmem>> -> memref<1x64xf32, #tpu.memory_space<vmem>>
      %dma_start3A_107 = tpu.memref_squeeze %dma_start3A_106 : memref<1x64xf32, #tpu.memory_space<vmem>> -> memref<64xf32, #tpu.memory_space<vmem>>
      %dma_start3A_108 = arith.constant 0 : i32
      %dma_start3A_109 = tpu.memref_slice %arg2[%squeeze3A_100, %dma_start3A_108] : memref<1000000x64xf32, #tpu.memory_space<hbm>> -> memref<1x64xf32, #tpu.memory_space<hbm>>
      %dma_start3A_110 = tpu.memref_squeeze %dma_start3A_109 : memref<1x64xf32, #tpu.memory_space<hbm>> -> memref<64xf32, #tpu.memory_space<hbm>>
      %dma_start3A_111 = arith.constant 0 : i32
      %dma_start3A_112 = tpu.memref_slice %arg9[%add3A_104, %dma_start3A_111] : memref<512x64xf32, #tpu.memory_space<vmem>> -> memref<1x64xf32, #tpu.memory_space<vmem>>
      %dma_start3A_113 = tpu.memref_squeeze %dma_start3A_112 : memref<1x64xf32, #tpu.memory_space<vmem>> -> memref<64xf32, #tpu.memory_space<vmem>>
      %dma_start3A_114 = arith.constant 0 : i32
      %dma_start3A_115 = tpu.memref_slice %arg2[%squeeze3A_100, %dma_start3A_114] : memref<1000000x64xf32, #tpu.memory_space<hbm>> -> memref<1x64xf32, #tpu.memory_space<hbm>>
      %dma_start3A_116 = tpu.memref_squeeze %dma_start3A_115 : memref<1x64xf32, #tpu.memory_space<hbm>> -> memref<64xf32, #tpu.memory_space<hbm>>
      tpu.enqueue_dma source(%dma_start3A_116 : memref<64xf32, #tpu.memory_space<hbm>>) target(%dma_start3A_113 : memref<64xf32, #tpu.memory_space<vmem>>) target_semaphore(%arg10 : memref<!tpu.dma_semaphore, #tpu.memory_space<semaphore_mem>>)
      %slice3A_117 = vector.extract_strided_slice %get3A_29 {offsets = [5], sizes = [1], strides = [1]} : vector<16xi32> to vector<1xi32>
      %squeeze3A_118 = vector.extract %slice3A_117[0] : i32 from vector<1xi32>
      %mul3A_119 = arith.constant 16 : i32
      %mul3A_120 = arith.muli %scan3A_25, %mul3A_119 : i32
      %add3A_121 = arith.constant 5 : i32
      %add3A_122 = arith.addi %mul3A_120, %add3A_121 : i32
      %dma_start3A_123 = arith.constant 0 : i32
      %dma_start3A_124 = tpu.memref_slice %arg9[%add3A_122, %dma_start3A_123] : memref<512x64xf32, #tpu.memory_space<vmem>> -> memref<1x64xf32, #tpu.memory_space<vmem>>
      %dma_start3A_125 = tpu.memref_squeeze %dma_start3A_124 : memref<1x64xf32, #tpu.memory_space<vmem>> -> memref<64xf32, #tpu.memory_space<vmem>>
      %dma_start3A_126 = arith.constant 0 : i32
      %dma_start3A_127 = tpu.memref_slice %arg2[%squeeze3A_118, %dma_start3A_126] : memref<1000000x64xf32, #tpu.memory_space<hbm>> -> memref<1x64xf32, #tpu.memory_space<hbm>>
      %dma_start3A_128 = tpu.memref_squeeze %dma_start3A_127 : memref<1x64xf32, #tpu.memory_space<hbm>> -> memref<64xf32, #tpu.memory_space<hbm>>
      %dma_start3A_129 = arith.constant 0 : i32
      %dma_start3A_130 = tpu.memref_slice %arg9[%add3A_122, %dma_start3A_129] : memref<512x64xf32, #tpu.memory_space<vmem>> -> memref<1x64xf32, #tpu.memory_space<vmem>>
      %dma_start3A_131 = tpu.memref_squeeze %dma_start3A_130 : memref<1x64xf32, #tpu.memory_space<vmem>> -> memref<64xf32, #tpu.memory_space<vmem>>
      %dma_start3A_132 = arith.constant 0 : i32
      %dma_start3A_133 = tpu.memref_slice %arg2[%squeeze3A_118, %dma_start3A_132] : memref<1000000x64xf32, #tpu.memory_space<hbm>> -> memref<1x64xf32, #tpu.memory_space<hbm>>
      %dma_start3A_134 = tpu.memref_squeeze %dma_start3A_133 : memref<1x64xf32, #tpu.memory_space<hbm>> -> memref<64xf32, #tpu.memory_space<hbm>>
      tpu.enqueue_dma source(%dma_start3A_134 : memref<64xf32, #tpu.memory_space<hbm>>) target(%dma_start3A_131 : memref<64xf32, #tpu.memory_space<vmem>>) target_semaphore(%arg10 : memref<!tpu.dma_semaphore, #tpu.memory_space<semaphore_mem>>)
      %slice3A_135 = vector.extract_strided_slice %get3A_29 {offsets = [6], sizes = [1], strides = [1]} : vector<16xi32> to vector<1xi32>
      %squeeze3A_136 = vector.extract %slice3A_135[0] : i32 from vector<1xi32>
      %mul3A_137 = arith.constant 16 : i32
      %mul3A_138 = arith.muli %scan3A_25, %mul3A_137 : i32
      %add3A_139 = arith.constant 6 : i32
      %add3A_140 = arith.addi %mul3A_138, %add3A_139 : i32
      %dma_start3A_141 = arith.constant 0 : i32
      %dma_start3A_142 = tpu.memref_slice %arg9[%add3A_140, %dma_start3A_141] : memref<512x64xf32, #tpu.memory_space<vmem>> -> memref<1x64xf32, #tpu.memory_space<vmem>>
      %dma_start3A_143 = tpu.memref_squeeze %dma_start3A_142 : memref<1x64xf32, #tpu.memory_space<vmem>> -> memref<64xf32, #tpu.memory_space<vmem>>
      %dma_start3A_144 = arith.constant 0 : i32
      %dma_start3A_145 = tpu.memref_slice %arg2[%squeeze3A_136, %dma_start3A_144] : memref<1000000x64xf32, #tpu.memory_space<hbm>> -> memref<1x64xf32, #tpu.memory_space<hbm>>
      %dma_start3A_146 = tpu.memref_squeeze %dma_start3A_145 : memref<1x64xf32, #tpu.memory_space<hbm>> -> memref<64xf32, #tpu.memory_space<hbm>>
      %dma_start3A_147 = arith.constant 0 : i32
      %dma_start3A_148 = tpu.memref_slice %arg9[%add3A_140, %dma_start3A_147] : memref<512x64xf32, #tpu.memory_space<vmem>> -> memref<1x64xf32, #tpu.memory_space<vmem>>
      %dma_start3A_149 = tpu.memref_squeeze %dma_start3A_148 : memref<1x64xf32, #tpu.memory_space<vmem>> -> memref<64xf32, #tpu.memory_space<vmem>>
      %dma_start3A_150 = arith.constant 0 : i32
      %dma_start3A_151 = tpu.memref_slice %arg2[%squeeze3A_136, %dma_start3A_150] : memref<1000000x64xf32, #tpu.memory_space<hbm>> -> memref<1x64xf32, #tpu.memory_space<hbm>>
      %dma_start3A_152 = tpu.memref_squeeze %dma_start3A_151 : memref<1x64xf32, #tpu.memory_space<hbm>> -> memref<64xf32, #tpu.memory_space<hbm>>
      tpu.enqueue_dma source(%dma_start3A_152 : memref<64xf32, #tpu.memory_space<hbm>>) target(%dma_start3A_149 : memref<64xf32, #tpu.memory_space<vmem>>) target_semaphore(%arg10 : memref<!tpu.dma_semaphore, #tpu.memory_space<semaphore_mem>>)
      %slice3A_153 = vector.extract_strided_slice %get3A_29 {offsets = [7], sizes = [1], strides = [1]} : vector<16xi32> to vector<1xi32>
      %squeeze3A_154 = vector.extract %slice3A_153[0] : i32 from vector<1xi32>
      %mul3A_155 = arith.constant 16 : i32
      %mul3A_156 = arith.muli %scan3A_25, %mul3A_155 : i32
      %add3A_157 = arith.constant 7 : i32
      %add3A_158 = arith.addi %mul3A_156, %add3A_157 : i32
      %dma_start3A_159 = arith.constant 0 : i32
      %dma_start3A_160 = tpu.memref_slice %arg9[%add3A_158, %dma_start3A_159] : memref<512x64xf32, #tpu.memory_space<vmem>> -> memref<1x64xf32, #tpu.memory_space<vmem>>
      %dma_start3A_161 = tpu.memref_squeeze %dma_start3A_160 : memref<1x64xf32, #tpu.memory_space<vmem>> -> memref<64xf32, #tpu.memory_space<vmem>>
      %dma_start3A_162 = arith.constant 0 : i32
      %dma_start3A_163 = tpu.memref_slice %arg2[%squeeze3A_154, %dma_start3A_162] : memref<1000000x64xf32, #tpu.memory_space<hbm>> -> memref<1x64xf32, #tpu.memory_space<hbm>>
      %dma_start3A_164 = tpu.memref_squeeze %dma_start3A_163 : memref<1x64xf32, #tpu.memory_space<hbm>> -> memref<64xf32, #tpu.memory_space<hbm>>
      %dma_start3A_165 = arith.constant 0 : i32
      %dma_start3A_166 = tpu.memref_slice %arg9[%add3A_158, %dma_start3A_165] : memref<512x64xf32, #tpu.memory_space<vmem>> -> memref<1x64xf32, #tpu.memory_space<vmem>>
      %dma_start3A_167 = tpu.memref_squeeze %dma_start3A_166 : memref<1x64xf32, #tpu.memory_space<vmem>> -> memref<64xf32, #tpu.memory_space<vmem>>
      %dma_start3A_168 = arith.constant 0 : i32
      %dma_start3A_169 = tpu.memref_slice %arg2[%squeeze3A_154, %dma_start3A_168] : memref<1000000x64xf32, #tpu.memory_space<hbm>> -> memref<1x64xf32, #tpu.memory_space<hbm>>
      %dma_start3A_170 = tpu.memref_squeeze %dma_start3A_169 : memref<1x64xf32, #tpu.memory_space<hbm>> -> memref<64xf32, #tpu.memory_space<hbm>>
      tpu.enqueue_dma source(%dma_start3A_170 : memref<64xf32, #tpu.memory_space<hbm>>) target(%dma_start3A_167 : memref<64xf32, #tpu.memory_space<vmem>>) target_semaphore(%arg10 : memref<!tpu.dma_semaphore, #tpu.memory_space<semaphore_mem>>)
      %slice3A_171 = vector.extract_strided_slice %get3A_29 {offsets = [8], sizes = [1], strides = [1]} : vector<16xi32> to vector<1xi32>
      %squeeze3A_172 = vector.extract %slice3A_171[0] : i32 from vector<1xi32>
      %mul3A_173 = arith.constant 16 : i32
      %mul3A_174 = arith.muli %scan3A_25, %mul3A_173 : i32
      %add3A_175 = arith.constant 8 : i32
      %add3A_176 = arith.addi %mul3A_174, %add3A_175 : i32
      %dma_start3A_177 = arith.constant 0 : i32
      %dma_start3A_178 = tpu.memref_slice %arg9[%add3A_176, %dma_start3A_177] : memref<512x64xf32, #tpu.memory_space<vmem>> -> memref<1x64xf32, #tpu.memory_space<vmem>>
      %dma_start3A_179 = tpu.memref_squeeze %dma_start3A_178 : memref<1x64xf32, #tpu.memory_space<vmem>> -> memref<64xf32, #tpu.memory_space<vmem>>
      %dma_start3A_180 = arith.constant 0 : i32
      %dma_start3A_181 = tpu.memref_slice %arg2[%squeeze3A_172, %dma_start3A_180] : memref<1000000x64xf32, #tpu.memory_space<hbm>> -> memref<1x64xf32, #tpu.memory_space<hbm>>
      %dma_start3A_182 = tpu.memref_squeeze %dma_start3A_181 : memref<1x64xf32, #tpu.memory_space<hbm>> -> memref<64xf32, #tpu.memory_space<hbm>>
      %dma_start3A_183 = arith.constant 0 : i32
      %dma_start3A_184 = tpu.memref_slice %arg9[%add3A_176, %dma_start3A_183] : memref<512x64xf32, #tpu.memory_space<vmem>> -> memref<1x64xf32, #tpu.memory_space<vmem>>
      %dma_start3A_185 = tpu.memref_squeeze %dma_start3A_184 : memref<1x64xf32, #tpu.memory_space<vmem>> -> memref<64xf32, #tpu.memory_space<vmem>>
      %dma_start3A_186 = arith.constant 0 : i32
      %dma_start3A_187 = tpu.memref_slice %arg2[%squeeze3A_172, %dma_start3A_186] : memref<1000000x64xf32, #tpu.memory_space<hbm>> -> memref<1x64xf32, #tpu.memory_space<hbm>>
      %dma_start3A_188 = tpu.memref_squeeze %dma_start3A_187 : memref<1x64xf32, #tpu.memory_space<hbm>> -> memref<64xf32, #tpu.memory_space<hbm>>
      tpu.enqueue_dma source(%dma_start3A_188 : memref<64xf32, #tpu.memory_space<hbm>>) target(%dma_start3A_185 : memref<64xf32, #tpu.memory_space<vmem>>) target_semaphore(%arg10 : memref<!tpu.dma_semaphore, #tpu.memory_space<semaphore_mem>>)
      %slice3A_189 = vector.extract_strided_slice %get3A_29 {offsets = [9], sizes = [1], strides = [1]} : vector<16xi32> to vector<1xi32>
      %squeeze3A_190 = vector.extract %slice3A_189[0] : i32 from vector<1xi32>
      %mul3A_191 = arith.constant 16 : i32
      %mul3A_192 = arith.muli %scan3A_25, %mul3A_191 : i32
      %add3A_193 = arith.constant 9 : i32
      %add3A_194 = arith.addi %mul3A_192, %add3A_193 : i32
      %dma_start3A_195 = arith.constant 0 : i32
      %dma_start3A_196 = tpu.memref_slice %arg9[%add3A_194, %dma_start3A_195] : memref<512x64xf32, #tpu.memory_space<vmem>> -> memref<1x64xf32, #tpu.memory_space<vmem>>
      %dma_start3A_197 = tpu.memref_squeeze %dma_start3A_196 : memref<1x64xf32, #tpu.memory_space<vmem>> -> memref<64xf32, #tpu.memory_space<vmem>>
      %dma_start3A_198 = arith.constant 0 : i32
      %dma_start3A_199 = tpu.memref_slice %arg2[%squeeze3A_190, %dma_start3A_198] : memref<1000000x64xf32, #tpu.memory_space<hbm>> -> memref<1x64xf32, #tpu.memory_space<hbm>>
      %dma_start3A_200 = tpu.memref_squeeze %dma_start3A_199 : memref<1x64xf32, #tpu.memory_space<hbm>> -> memref<64xf32, #tpu.memory_space<hbm>>
      %dma_start3A_201 = arith.constant 0 : i32
      %dma_start3A_202 = tpu.memref_slice %arg9[%add3A_194, %dma_start3A_201] : memref<512x64xf32, #tpu.memory_space<vmem>> -> memref<1x64xf32, #tpu.memory_space<vmem>>
      %dma_start3A_203 = tpu.memref_squeeze %dma_start3A_202 : memref<1x64xf32, #tpu.memory_space<vmem>> -> memref<64xf32, #tpu.memory_space<vmem>>
      %dma_start3A_204 = arith.constant 0 : i32
      %dma_start3A_205 = tpu.memref_slice %arg2[%squeeze3A_190, %dma_start3A_204] : memref<1000000x64xf32, #tpu.memory_space<hbm>> -> memref<1x64xf32, #tpu.memory_space<hbm>>
      %dma_start3A_206 = tpu.memref_squeeze %dma_start3A_205 : memref<1x64xf32, #tpu.memory_space<hbm>> -> memref<64xf32, #tpu.memory_space<hbm>>
      tpu.enqueue_dma source(%dma_start3A_206 : memref<64xf32, #tpu.memory_space<hbm>>) target(%dma_start3A_203 : memref<64xf32, #tpu.memory_space<vmem>>) target_semaphore(%arg10 : memref<!tpu.dma_semaphore, #tpu.memory_space<semaphore_mem>>)
      %slice3A_207 = vector.extract_strided_slice %get3A_29 {offsets = [10], sizes = [1], strides = [1]} : vector<16xi32> to vector<1xi32>
      %squeeze3A_208 = vector.extract %slice3A_207[0] : i32 from vector<1xi32>
      %mul3A_209 = arith.constant 16 : i32
      %mul3A_210 = arith.muli %scan3A_25, %mul3A_209 : i32
      %add3A_211 = arith.constant 10 : i32
      %add3A_212 = arith.addi %mul3A_210, %add3A_211 : i32
      %dma_start3A_213 = arith.constant 0 : i32
      %dma_start3A_214 = tpu.memref_slice %arg9[%add3A_212, %dma_start3A_213] : memref<512x64xf32, #tpu.memory_space<vmem>> -> memref<1x64xf32, #tpu.memory_space<vmem>>
      %dma_start3A_215 = tpu.memref_squeeze %dma_start3A_214 : memref<1x64xf32, #tpu.memory_space<vmem>> -> memref<64xf32, #tpu.memory_space<vmem>>
      %dma_start3A_216 = arith.constant 0 : i32
      %dma_start3A_217 = tpu.memref_slice %arg2[%squeeze3A_208, %dma_start3A_216] : memref<1000000x64xf32, #tpu.memory_space<hbm>> -> memref<1x64xf32, #tpu.memory_space<hbm>>
      %dma_start3A_218 = tpu.memref_squeeze %dma_start3A_217 : memref<1x64xf32, #tpu.memory_space<hbm>> -> memref<64xf32, #tpu.memory_space<hbm>>
      %dma_start3A_219 = arith.constant 0 : i32
      %dma_start3A_220 = tpu.memref_slice %arg9[%add3A_212, %dma_start3A_219] : memref<512x64xf32, #tpu.memory_space<vmem>> -> memref<1x64xf32, #tpu.memory_space<vmem>>
      %dma_start3A_221 = tpu.memref_squeeze %dma_start3A_220 : memref<1x64xf32, #tpu.memory_space<vmem>> -> memref<64xf32, #tpu.memory_space<vmem>>
      %dma_start3A_222 = arith.constant 0 : i32
      %dma_start3A_223 = tpu.memref_slice %arg2[%squeeze3A_208, %dma_start3A_222] : memref<1000000x64xf32, #tpu.memory_space<hbm>> -> memref<1x64xf32, #tpu.memory_space<hbm>>
      %dma_start3A_224 = tpu.memref_squeeze %dma_start3A_223 : memref<1x64xf32, #tpu.memory_space<hbm>> -> memref<64xf32, #tpu.memory_space<hbm>>
      tpu.enqueue_dma source(%dma_start3A_224 : memref<64xf32, #tpu.memory_space<hbm>>) target(%dma_start3A_221 : memref<64xf32, #tpu.memory_space<vmem>>) target_semaphore(%arg10 : memref<!tpu.dma_semaphore, #tpu.memory_space<semaphore_mem>>)
      %slice3A_225 = vector.extract_strided_slice %get3A_29 {offsets = [11], sizes = [1], strides = [1]} : vector<16xi32> to vector<1xi32>
      %squeeze3A_226 = vector.extract %slice3A_225[0] : i32 from vector<1xi32>
      %mul3A_227 = arith.constant 16 : i32
      %mul3A_228 = arith.muli %scan3A_25, %mul3A_227 : i32
      %add3A_229 = arith.constant 11 : i32
      %add3A_230 = arith.addi %mul3A_228, %add3A_229 : i32
      %dma_start3A_231 = arith.constant 0 : i32
      %dma_start3A_232 = tpu.memref_slice %arg9[%add3A_230, %dma_start3A_231] : memref<512x64xf32, #tpu.memory_space<vmem>> -> memref<1x64xf32, #tpu.memory_space<vmem>>
      %dma_start3A_233 = tpu.memref_squeeze %dma_start3A_232 : memref<1x64xf32, #tpu.memory_space<vmem>> -> memref<64xf32, #tpu.memory_space<vmem>>
      %dma_start3A_234 = arith.constant 0 : i32
      %dma_start3A_235 = tpu.memref_slice %arg2[%squeeze3A_226, %dma_start3A_234] : memref<1000000x64xf32, #tpu.memory_space<hbm>> -> memref<1x64xf32, #tpu.memory_space<hbm>>
      %dma_start3A_236 = tpu.memref_squeeze %dma_start3A_235 : memref<1x64xf32, #tpu.memory_space<hbm>> -> memref<64xf32, #tpu.memory_space<hbm>>
      %dma_start3A_237 = arith.constant 0 : i32
      %dma_start3A_238 = tpu.memref_slice %arg9[%add3A_230, %dma_start3A_237] : memref<512x64xf32, #tpu.memory_space<vmem>> -> memref<1x64xf32, #tpu.memory_space<vmem>>
      %dma_start3A_239 = tpu.memref_squeeze %dma_start3A_238 : memref<1x64xf32, #tpu.memory_space<vmem>> -> memref<64xf32, #tpu.memory_space<vmem>>
      %dma_start3A_240 = arith.constant 0 : i32
      %dma_start3A_241 = tpu.memref_slice %arg2[%squeeze3A_226, %dma_start3A_240] : memref<1000000x64xf32, #tpu.memory_space<hbm>> -> memref<1x64xf32, #tpu.memory_space<hbm>>
      %dma_start3A_242 = tpu.memref_squeeze %dma_start3A_241 : memref<1x64xf32, #tpu.memory_space<hbm>> -> memref<64xf32, #tpu.memory_space<hbm>>
      tpu.enqueue_dma source(%dma_start3A_242 : memref<64xf32, #tpu.memory_space<hbm>>) target(%dma_start3A_239 : memref<64xf32, #tpu.memory_space<vmem>>) target_semaphore(%arg10 : memref<!tpu.dma_semaphore, #tpu.memory_space<semaphore_mem>>)
      %slice3A_243 = vector.extract_strided_slice %get3A_29 {offsets = [12], sizes = [1], strides = [1]} : vector<16xi32> to vector<1xi32>
      %squeeze3A_244 = vector.extract %slice3A_243[0] : i32 from vector<1xi32>
      %mul3A_245 = arith.constant 16 : i32
      %mul3A_246 = arith.muli %scan3A_25, %mul3A_245 : i32
      %add3A_247 = arith.constant 12 : i32
      %add3A_248 = arith.addi %mul3A_246, %add3A_247 : i32
      %dma_start3A_249 = arith.constant 0 : i32
      %dma_start3A_250 = tpu.memref_slice %arg9[%add3A_248, %dma_start3A_249] : memref<512x64xf32, #tpu.memory_space<vmem>> -> memref<1x64xf32, #tpu.memory_space<vmem>>
      %dma_start3A_251 = tpu.memref_squeeze %dma_start3A_250 : memref<1x64xf32, #tpu.memory_space<vmem>> -> memref<64xf32, #tpu.memory_space<vmem>>
      %dma_start3A_252 = arith.constant 0 : i32
      %dma_start3A_253 = tpu.memref_slice %arg2[%squeeze3A_244, %dma_start3A_252] : memref<1000000x64xf32, #tpu.memory_space<hbm>> -> memref<1x64xf32, #tpu.memory_space<hbm>>
      %dma_start3A_254 = tpu.memref_squeeze %dma_start3A_253 : memref<1x64xf32, #tpu.memory_space<hbm>> -> memref<64xf32, #tpu.memory_space<hbm>>
      %dma_start3A_255 = arith.constant 0 : i32
      %dma_start3A_256 = tpu.memref_slice %arg9[%add3A_248, %dma_start3A_255] : memref<512x64xf32, #tpu.memory_space<vmem>> -> memref<1x64xf32, #tpu.memory_space<vmem>>
      %dma_start3A_257 = tpu.memref_squeeze %dma_start3A_256 : memref<1x64xf32, #tpu.memory_space<vmem>> -> memref<64xf32, #tpu.memory_space<vmem>>
      %dma_start3A_258 = arith.constant 0 : i32
      %dma_start3A_259 = tpu.memref_slice %arg2[%squeeze3A_244, %dma_start3A_258] : memref<1000000x64xf32, #tpu.memory_space<hbm>> -> memref<1x64xf32, #tpu.memory_space<hbm>>
      %dma_start3A_260 = tpu.memref_squeeze %dma_start3A_259 : memref<1x64xf32, #tpu.memory_space<hbm>> -> memref<64xf32, #tpu.memory_space<hbm>>
      tpu.enqueue_dma source(%dma_start3A_260 : memref<64xf32, #tpu.memory_space<hbm>>) target(%dma_start3A_257 : memref<64xf32, #tpu.memory_space<vmem>>) target_semaphore(%arg10 : memref<!tpu.dma_semaphore, #tpu.memory_space<semaphore_mem>>)
      %slice3A_261 = vector.extract_strided_slice %get3A_29 {offsets = [13], sizes = [1], strides = [1]} : vector<16xi32> to vector<1xi32>
      %squeeze3A_262 = vector.extract %slice3A_261[0] : i32 from vector<1xi32>
      %mul3A_263 = arith.constant 16 : i32
      %mul3A_264 = arith.muli %scan3A_25, %mul3A_263 : i32
      %add3A_265 = arith.constant 13 : i32
      %add3A_266 = arith.addi %mul3A_264, %add3A_265 : i32
      %dma_start3A_267 = arith.constant 0 : i32
      %dma_start3A_268 = tpu.memref_slice %arg9[%add3A_266, %dma_start3A_267] : memref<512x64xf32, #tpu.memory_space<vmem>> -> memref<1x64xf32, #tpu.memory_space<vmem>>
      %dma_start3A_269 = tpu.memref_squeeze %dma_start3A_268 : memref<1x64xf32, #tpu.memory_space<vmem>> -> memref<64xf32, #tpu.memory_space<vmem>>
      %dma_start3A_270 = arith.constant 0 : i32
      %dma_start3A_271 = tpu.memref_slice %arg2[%squeeze3A_262, %dma_start3A_270] : memref<1000000x64xf32, #tpu.memory_space<hbm>> -> memref<1x64xf32, #tpu.memory_space<hbm>>
      %dma_start3A_272 = tpu.memref_squeeze %dma_start3A_271 : memref<1x64xf32, #tpu.memory_space<hbm>> -> memref<64xf32, #tpu.memory_space<hbm>>
      %dma_start3A_273 = arith.constant 0 : i32
      %dma_start3A_274 = tpu.memref_slice %arg9[%add3A_266, %dma_start3A_273] : memref<512x64xf32, #tpu.memory_space<vmem>> -> memref<1x64xf32, #tpu.memory_space<vmem>>
      %dma_start3A_275 = tpu.memref_squeeze %dma_start3A_274 : memref<1x64xf32, #tpu.memory_space<vmem>> -> memref<64xf32, #tpu.memory_space<vmem>>
      %dma_start3A_276 = arith.constant 0 : i32
      %dma_start3A_277 = tpu.memref_slice %arg2[%squeeze3A_262, %dma_start3A_276] : memref<1000000x64xf32, #tpu.memory_space<hbm>> -> memref<1x64xf32, #tpu.memory_space<hbm>>
      %dma_start3A_278 = tpu.memref_squeeze %dma_start3A_277 : memref<1x64xf32, #tpu.memory_space<hbm>> -> memref<64xf32, #tpu.memory_space<hbm>>
      tpu.enqueue_dma source(%dma_start3A_278 : memref<64xf32, #tpu.memory_space<hbm>>) target(%dma_start3A_275 : memref<64xf32, #tpu.memory_space<vmem>>) target_semaphore(%arg10 : memref<!tpu.dma_semaphore, #tpu.memory_space<semaphore_mem>>)
      %slice3A_279 = vector.extract_strided_slice %get3A_29 {offsets = [14], sizes = [1], strides = [1]} : vector<16xi32> to vector<1xi32>
      %squeeze3A_280 = vector.extract %slice3A_279[0] : i32 from vector<1xi32>
      %mul3A_281 = arith.constant 16 : i32
      %mul3A_282 = arith.muli %scan3A_25, %mul3A_281 : i32
      %add3A_283 = arith.constant 14 : i32
      %add3A_284 = arith.addi %mul3A_282, %add3A_283 : i32
      %dma_start3A_285 = arith.constant 0 : i32
      %dma_start3A_286 = tpu.memref_slice %arg9[%add3A_284, %dma_start3A_285] : memref<512x64xf32, #tpu.memory_space<vmem>> -> memref<1x64xf32, #tpu.memory_space<vmem>>
      %dma_start3A_287 = tpu.memref_squeeze %dma_start3A_286 : memref<1x64xf32, #tpu.memory_space<vmem>> -> memref<64xf32, #tpu.memory_space<vmem>>
      %dma_start3A_288 = arith.constant 0 : i32
      %dma_start3A_289 = tpu.memref_slice %arg2[%squeeze3A_280, %dma_start3A_288] : memref<1000000x64xf32, #tpu.memory_space<hbm>> -> memref<1x64xf32, #tpu.memory_space<hbm>>
      %dma_start3A_290 = tpu.memref_squeeze %dma_start3A_289 : memref<1x64xf32, #tpu.memory_space<hbm>> -> memref<64xf32, #tpu.memory_space<hbm>>
      %dma_start3A_291 = arith.constant 0 : i32
      %dma_start3A_292 = tpu.memref_slice %arg9[%add3A_284, %dma_start3A_291] : memref<512x64xf32, #tpu.memory_space<vmem>> -> memref<1x64xf32, #tpu.memory_space<vmem>>
      %dma_start3A_293 = tpu.memref_squeeze %dma_start3A_292 : memref<1x64xf32, #tpu.memory_space<vmem>> -> memref<64xf32, #tpu.memory_space<vmem>>
      %dma_start3A_294 = arith.constant 0 : i32
      %dma_start3A_295 = tpu.memref_slice %arg2[%squeeze3A_280, %dma_start3A_294] : memref<1000000x64xf32, #tpu.memory_space<hbm>> -> memref<1x64xf32, #tpu.memory_space<hbm>>
      %dma_start3A_296 = tpu.memref_squeeze %dma_start3A_295 : memref<1x64xf32, #tpu.memory_space<hbm>> -> memref<64xf32, #tpu.memory_space<hbm>>
      tpu.enqueue_dma source(%dma_start3A_296 : memref<64xf32, #tpu.memory_space<hbm>>) target(%dma_start3A_293 : memref<64xf32, #tpu.memory_space<vmem>>) target_semaphore(%arg10 : memref<!tpu.dma_semaphore, #tpu.memory_space<semaphore_mem>>)
      %slice3A_297 = vector.extract_strided_slice %get3A_29 {offsets = [15], sizes = [1], strides = [1]} : vector<16xi32> to vector<1xi32>
      %squeeze3A_298 = vector.extract %slice3A_297[0] : i32 from vector<1xi32>
      %mul3A_299 = arith.constant 16 : i32
      %mul3A_300 = arith.muli %scan3A_25, %mul3A_299 : i32
      %add3A_301 = arith.constant 15 : i32
      %add3A_302 = arith.addi %mul3A_300, %add3A_301 : i32
      %dma_start3A_303 = arith.constant 0 : i32
      %dma_start3A_304 = tpu.memref_slice %arg9[%add3A_302, %dma_start3A_303] : memref<512x64xf32, #tpu.memory_space<vmem>> -> memref<1x64xf32, #tpu.memory_space<vmem>>
      %dma_start3A_305 = tpu.memref_squeeze %dma_start3A_304 : memref<1x64xf32, #tpu.memory_space<vmem>> -> memref<64xf32, #tpu.memory_space<vmem>>
      %dma_start3A_306 = arith.constant 0 : i32
      %dma_start3A_307 = tpu.memref_slice %arg2[%squeeze3A_298, %dma_start3A_306] : memref<1000000x64xf32, #tpu.memory_space<hbm>> -> memref<1x64xf32, #tpu.memory_space<hbm>>
      %dma_start3A_308 = tpu.memref_squeeze %dma_start3A_307 : memref<1x64xf32, #tpu.memory_space<hbm>> -> memref<64xf32, #tpu.memory_space<hbm>>
      %dma_start3A_309 = arith.constant 0 : i32
      %dma_start3A_310 = tpu.memref_slice %arg9[%add3A_302, %dma_start3A_309] : memref<512x64xf32, #tpu.memory_space<vmem>> -> memref<1x64xf32, #tpu.memory_space<vmem>>
      %dma_start3A_311 = tpu.memref_squeeze %dma_start3A_310 : memref<1x64xf32, #tpu.memory_space<vmem>> -> memref<64xf32, #tpu.memory_space<vmem>>
      %dma_start3A_312 = arith.constant 0 : i32
      %dma_start3A_313 = tpu.memref_slice %arg2[%squeeze3A_298, %dma_start3A_312] : memref<1000000x64xf32, #tpu.memory_space<hbm>> -> memref<1x64xf32, #tpu.memory_space<hbm>>
      %dma_start3A_314 = tpu.memref_squeeze %dma_start3A_313 : memref<1x64xf32, #tpu.memory_space<hbm>> -> memref<64xf32, #tpu.memory_space<hbm>>
      tpu.enqueue_dma source(%dma_start3A_314 : memref<64xf32, #tpu.memory_space<hbm>>) target(%dma_start3A_311 : memref<64xf32, #tpu.memory_space<vmem>>) target_semaphore(%arg10 : memref<!tpu.dma_semaphore, #tpu.memory_space<semaphore_mem>>)
    }
    %scan3A_7 = arith.constant 32 : i32
    %dma_wait3A = arith.constant 0 : i32
    %dma_wait3A_8 = arith.constant 0 : i32
    %dma_wait3A_9 = tpu.memref_slice %arg2[%dma_wait3A, %dma_wait3A_8] : memref<1000000x64xf32, #tpu.memory_space<hbm>> -> memref<512x64xf32, #tpu.memory_space<hbm>>
    %dma_wait3A_10 = arith.constant 0 : i32
    %dma_wait3A_11 = arith.constant 0 : i32
    %dma_wait3A_12 = tpu.memref_slice %arg2[%dma_wait3A_10, %dma_wait3A_11] : memref<1000000x64xf32, #tpu.memory_space<hbm>> -> memref<512x64xf32, #tpu.memory_space<hbm>>
    tpu.wait_dma2 semaphore(%arg10 : memref<!tpu.dma_semaphore, #tpu.memory_space<semaphore_mem>>) src(%dma_wait3A_12 : memref<512x64xf32, #tpu.memory_space<hbm>>) dst(%arg9 : memref<512x64xf32, #tpu.memory_space<vmem>>)
    "tpu.region"() ({
      %run_scoped3A = tpu.sem_alloc : memref<!tpu.dma_semaphore, #tpu.memory_space<semaphore_mem>>
      %dma_start3A = arith.constant 0 : i32
      %dma_start3A_25 = tpu.memref_slice %arg6[%mul3A_2, %dma_start3A] : memref<16384x64xf32, #tpu.memory_space<hbm>> -> memref<512x64xf32, #tpu.memory_space<hbm>>
      %dma_start3A_26 = arith.constant 0 : i32
      %dma_start3A_27 = tpu.memref_slice %arg6[%mul3A_2, %dma_start3A_26] : memref<16384x64xf32, #tpu.memory_space<hbm>> -> memref<512x64xf32, #tpu.memory_space<hbm>>
      tpu.enqueue_dma source(%arg9 : memref<512x64xf32, #tpu.memory_space<vmem>>) target(%dma_start3A_27 : memref<512x64xf32, #tpu.memory_space<hbm>>) target_semaphore(%run_scoped3A : memref<!tpu.dma_semaphore, #tpu.memory_space<semaphore_mem>>)
      %dma_wait3A_28 = arith.constant 0 : i32
      %dma_wait3A_29 = tpu.memref_slice %arg6[%mul3A_2, %dma_wait3A_28] : memref<16384x64xf32, #tpu.memory_space<hbm>> -> memref<512x64xf32, #tpu.memory_space<hbm>>
      %dma_wait3A_30 = arith.constant 0 : i32
      %dma_wait3A_31 = tpu.memref_slice %arg6[%mul3A_2, %dma_wait3A_30] : memref<16384x64xf32, #tpu.memory_space<hbm>> -> memref<512x64xf32, #tpu.memory_space<hbm>>
      tpu.wait_dma2 semaphore(%run_scoped3A : memref<!tpu.dma_semaphore, #tpu.memory_space<semaphore_mem>>) src(%arg9 : memref<512x64xf32, #tpu.memory_space<vmem>>) dst(%dma_wait3A_31 : memref<512x64xf32, #tpu.memory_space<hbm>>)
      tpu.yield
    }) : () -> ()
    "tpu.region"() ({
      %run_scoped3A = tpu.sem_alloc : memref<!tpu.dma_semaphore, #tpu.memory_space<semaphore_mem>>
      %dma_start3A = arith.constant 0 : i32
      %dma_start3A_25 = tpu.memref_slice %arg5[%add3A, %dma_start3A] : memref<32x512xi32, #tpu.memory_space<hbm>> -> memref<1x512xi32, #tpu.memory_space<hbm>>
      %dma_start3A_26 = tpu.memref_squeeze %dma_start3A_25 : memref<1x512xi32, #tpu.memory_space<hbm>> -> memref<512xi32, #tpu.memory_space<hbm>>
      %dma_start3A_27 = arith.constant 0 : i32
      %dma_start3A_28 = tpu.memref_slice %arg5[%add3A, %dma_start3A_27] : memref<32x512xi32, #tpu.memory_space<hbm>> -> memref<1x512xi32, #tpu.memory_space<hbm>>
      %dma_start3A_29 = tpu.memref_squeeze %dma_start3A_28 : memref<1x512xi32, #tpu.memory_space<hbm>> -> memref<512xi32, #tpu.memory_space<hbm>>
      tpu.enqueue_dma source(%dma_start3A_29 : memref<512xi32, #tpu.memory_space<hbm>>) target(%arg8 : memref<512xi32, #tpu.memory_space<vmem>>) target_semaphore(%run_scoped3A : memref<!tpu.dma_semaphore, #tpu.memory_space<semaphore_mem>>)
      %dma_wait3A_30 = arith.constant 0 : i32
      %dma_wait3A_31 = tpu.memref_slice %arg5[%add3A, %dma_wait3A_30] : memref<32x512xi32, #tpu.memory_space<hbm>> -> memref<1x512xi32, #tpu.memory_space<hbm>>
      %dma_wait3A_32 = tpu.memref_squeeze %dma_wait3A_31 : memref<1x512xi32, #tpu.memory_space<hbm>> -> memref<512xi32, #tpu.memory_space<hbm>>
      %dma_wait3A_33 = arith.constant 0 : i32
      %dma_wait3A_34 = tpu.memref_slice %arg5[%add3A, %dma_wait3A_33] : memref<32x512xi32, #tpu.memory_space<hbm>> -> memref<1x512xi32, #tpu.memory_space<hbm>>
      %dma_wait3A_35 = tpu.memref_squeeze %dma_wait3A_34 : memref<1x512xi32, #tpu.memory_space<hbm>> -> memref<512xi32, #tpu.memory_space<hbm>>
      tpu.wait_dma2 semaphore(%run_scoped3A : memref<!tpu.dma_semaphore, #tpu.memory_space<semaphore_mem>>) src(%dma_wait3A_35 : memref<512xi32, #tpu.memory_space<hbm>>) dst(%arg8 : memref<512xi32, #tpu.memory_space<vmem>>)
      tpu.yield
    }) : () -> ()
    %scan3A_13 = arith.constant 0 : i32
    %scan3A_14 = arith.constant 0 : i32
    %scan3A_15 = arith.constant 32 : i32
    %scan3A_16 = arith.addi %scan3A_14, %scan3A_15 : i32
    %scan3A_17 = arith.constant 1 : i32
    scf.for %scan3A_25 = %scan3A_14 to %scan3A_16 step %scan3A_17  : i32 {
      %mul3A_26 = arith.constant 16 : i32
      %mul3A_27 = arith.muli %scan3A_25, %mul3A_26 : i32
      %get3A = arith.index_cast %mul3A_27 : i32 to index
      %get3A_28 = tpu.vector_load %arg8[%get3A] {strides = array<i32>} : memref<512xi32, #tpu.memory_space<vmem>>, vector<16xi32>,
      %get3A_29 = vector.shape_cast %get3A_28 : vector<16xi32> to vector<16xi32>
      %slice3A = vector.extract_strided_slice %get3A_29 {offsets = [0], sizes = [1], strides = [1]} : vector<16xi32> to vector<1xi32>
      %squeeze3A = vector.extract %slice3A[0] : i32 from vector<1xi32>
      %mul3A_30 = arith.constant 16 : i32
      %mul3A_31 = arith.muli %scan3A_25, %mul3A_30 : i32
      %add3A_32 = arith.constant 0 : i32
      %add3A_33 = arith.addi %mul3A_31, %add3A_32 : i32
      %dma_start3A = arith.constant 0 : i32
      %dma_start3A_34 = tpu.memref_slice %arg9[%add3A_33, %dma_start3A] : memref<512x64xf32, #tpu.memory_space<vmem>> -> memref<1x64xf32, #tpu.memory_space<vmem>>
      %dma_start3A_35 = tpu.memref_squeeze %dma_start3A_34 : memref<1x64xf32, #tpu.memory_space<vmem>> -> memref<64xf32, #tpu.memory_space<vmem>>
      %dma_start3A_36 = arith.constant 0 : i32
      %dma_start3A_37 = tpu.memref_slice %arg3[%squeeze3A, %dma_start3A_36] : memref<1000000x64xf32, #tpu.memory_space<hbm>> -> memref<1x64xf32, #tpu.memory_space<hbm>>
      %dma_start3A_38 = tpu.memref_squeeze %dma_start3A_37 : memref<1x64xf32, #tpu.memory_space<hbm>> -> memref<64xf32, #tpu.memory_space<hbm>>
      %dma_start3A_39 = arith.constant 0 : i32
      %dma_start3A_40 = tpu.memref_slice %arg9[%add3A_33, %dma_start3A_39] : memref<512x64xf32, #tpu.memory_space<vmem>> -> memref<1x64xf32, #tpu.memory_space<vmem>>
      %dma_start3A_41 = tpu.memref_squeeze %dma_start3A_40 : memref<1x64xf32, #tpu.memory_space<vmem>> -> memref<64xf32, #tpu.memory_space<vmem>>
      %dma_start3A_42 = arith.constant 0 : i32
      %dma_start3A_43 = tpu.memref_slice %arg3[%squeeze3A, %dma_start3A_42] : memref<1000000x64xf32, #tpu.memory_space<hbm>> -> memref<1x64xf32, #tpu.memory_space<hbm>>
      %dma_start3A_44 = tpu.memref_squeeze %dma_start3A_43 : memref<1x64xf32, #tpu.memory_space<hbm>> -> memref<64xf32, #tpu.memory_space<hbm>>
      tpu.enqueue_dma source(%dma_start3A_44 : memref<64xf32, #tpu.memory_space<hbm>>) target(%dma_start3A_41 : memref<64xf32, #tpu.memory_space<vmem>>) target_semaphore(%arg10 : memref<!tpu.dma_semaphore, #tpu.memory_space<semaphore_mem>>)
      %slice3A_45 = vector.extract_strided_slice %get3A_29 {offsets = [1], sizes = [1], strides = [1]} : vector<16xi32> to vector<1xi32>
      %squeeze3A_46 = vector.extract %slice3A_45[0] : i32 from vector<1xi32>
      %mul3A_47 = arith.constant 16 : i32
      %mul3A_48 = arith.muli %scan3A_25, %mul3A_47 : i32
      %add3A_49 = arith.constant 1 : i32
      %add3A_50 = arith.addi %mul3A_48, %add3A_49 : i32
      %dma_start3A_51 = arith.constant 0 : i32
      %dma_start3A_52 = tpu.memref_slice %arg9[%add3A_50, %dma_start3A_51] : memref<512x64xf32, #tpu.memory_space<vmem>> -> memref<1x64xf32, #tpu.memory_space<vmem>>
      %dma_start3A_53 = tpu.memref_squeeze %dma_start3A_52 : memref<1x64xf32, #tpu.memory_space<vmem>> -> memref<64xf32, #tpu.memory_space<vmem>>
      %dma_start3A_54 = arith.constant 0 : i32
      %dma_start3A_55 = tpu.memref_slice %arg3[%squeeze3A_46, %dma_start3A_54] : memref<1000000x64xf32, #tpu.memory_space<hbm>> -> memref<1x64xf32, #tpu.memory_space<hbm>>
      %dma_start3A_56 = tpu.memref_squeeze %dma_start3A_55 : memref<1x64xf32, #tpu.memory_space<hbm>> -> memref<64xf32, #tpu.memory_space<hbm>>
      %dma_start3A_57 = arith.constant 0 : i32
      %dma_start3A_58 = tpu.memref_slice %arg9[%add3A_50, %dma_start3A_57] : memref<512x64xf32, #tpu.memory_space<vmem>> -> memref<1x64xf32, #tpu.memory_space<vmem>>
      %dma_start3A_59 = tpu.memref_squeeze %dma_start3A_58 : memref<1x64xf32, #tpu.memory_space<vmem>> -> memref<64xf32, #tpu.memory_space<vmem>>
      %dma_start3A_60 = arith.constant 0 : i32
      %dma_start3A_61 = tpu.memref_slice %arg3[%squeeze3A_46, %dma_start3A_60] : memref<1000000x64xf32, #tpu.memory_space<hbm>> -> memref<1x64xf32, #tpu.memory_space<hbm>>
      %dma_start3A_62 = tpu.memref_squeeze %dma_start3A_61 : memref<1x64xf32, #tpu.memory_space<hbm>> -> memref<64xf32, #tpu.memory_space<hbm>>
      tpu.enqueue_dma source(%dma_start3A_62 : memref<64xf32, #tpu.memory_space<hbm>>) target(%dma_start3A_59 : memref<64xf32, #tpu.memory_space<vmem>>) target_semaphore(%arg10 : memref<!tpu.dma_semaphore, #tpu.memory_space<semaphore_mem>>)
      %slice3A_63 = vector.extract_strided_slice %get3A_29 {offsets = [2], sizes = [1], strides = [1]} : vector<16xi32> to vector<1xi32>
      %squeeze3A_64 = vector.extract %slice3A_63[0] : i32 from vector<1xi32>
      %mul3A_65 = arith.constant 16 : i32
      %mul3A_66 = arith.muli %scan3A_25, %mul3A_65 : i32
      %add3A_67 = arith.constant 2 : i32
      %add3A_68 = arith.addi %mul3A_66, %add3A_67 : i32
      %dma_start3A_69 = arith.constant 0 : i32
      %dma_start3A_70 = tpu.memref_slice %arg9[%add3A_68, %dma_start3A_69] : memref<512x64xf32, #tpu.memory_space<vmem>> -> memref<1x64xf32, #tpu.memory_space<vmem>>
      %dma_start3A_71 = tpu.memref_squeeze %dma_start3A_70 : memref<1x64xf32, #tpu.memory_space<vmem>> -> memref<64xf32, #tpu.memory_space<vmem>>
      %dma_start3A_72 = arith.constant 0 : i32
      %dma_start3A_73 = tpu.memref_slice %arg3[%squeeze3A_64, %dma_start3A_72] : memref<1000000x64xf32, #tpu.memory_space<hbm>> -> memref<1x64xf32, #tpu.memory_space<hbm>>
      %dma_start3A_74 = tpu.memref_squeeze %dma_start3A_73 : memref<1x64xf32, #tpu.memory_space<hbm>> -> memref<64xf32, #tpu.memory_space<hbm>>
      %dma_start3A_75 = arith.constant 0 : i32
      %dma_start3A_76 = tpu.memref_slice %arg9[%add3A_68, %dma_start3A_75] : memref<512x64xf32, #tpu.memory_space<vmem>> -> memref<1x64xf32, #tpu.memory_space<vmem>>
      %dma_start3A_77 = tpu.memref_squeeze %dma_start3A_76 : memref<1x64xf32, #tpu.memory_space<vmem>> -> memref<64xf32, #tpu.memory_space<vmem>>
      %dma_start3A_78 = arith.constant 0 : i32
      %dma_start3A_79 = tpu.memref_slice %arg3[%squeeze3A_64, %dma_start3A_78] : memref<1000000x64xf32, #tpu.memory_space<hbm>> -> memref<1x64xf32, #tpu.memory_space<hbm>>
      %dma_start3A_80 = tpu.memref_squeeze %dma_start3A_79 : memref<1x64xf32, #tpu.memory_space<hbm>> -> memref<64xf32, #tpu.memory_space<hbm>>
      tpu.enqueue_dma source(%dma_start3A_80 : memref<64xf32, #tpu.memory_space<hbm>>) target(%dma_start3A_77 : memref<64xf32, #tpu.memory_space<vmem>>) target_semaphore(%arg10 : memref<!tpu.dma_semaphore, #tpu.memory_space<semaphore_mem>>)
      %slice3A_81 = vector.extract_strided_slice %get3A_29 {offsets = [3], sizes = [1], strides = [1]} : vector<16xi32> to vector<1xi32>
      %squeeze3A_82 = vector.extract %slice3A_81[0] : i32 from vector<1xi32>
      %mul3A_83 = arith.constant 16 : i32
      %mul3A_84 = arith.muli %scan3A_25, %mul3A_83 : i32
      %add3A_85 = arith.constant 3 : i32
      %add3A_86 = arith.addi %mul3A_84, %add3A_85 : i32
      %dma_start3A_87 = arith.constant 0 : i32
      %dma_start3A_88 = tpu.memref_slice %arg9[%add3A_86, %dma_start3A_87] : memref<512x64xf32, #tpu.memory_space<vmem>> -> memref<1x64xf32, #tpu.memory_space<vmem>>
      %dma_start3A_89 = tpu.memref_squeeze %dma_start3A_88 : memref<1x64xf32, #tpu.memory_space<vmem>> -> memref<64xf32, #tpu.memory_space<vmem>>
      %dma_start3A_90 = arith.constant 0 : i32
      %dma_start3A_91 = tpu.memref_slice %arg3[%squeeze3A_82, %dma_start3A_90] : memref<1000000x64xf32, #tpu.memory_space<hbm>> -> memref<1x64xf32, #tpu.memory_space<hbm>>
      %dma_start3A_92 = tpu.memref_squeeze %dma_start3A_91 : memref<1x64xf32, #tpu.memory_space<hbm>> -> memref<64xf32, #tpu.memory_space<hbm>>
      %dma_start3A_93 = arith.constant 0 : i32
      %dma_start3A_94 = tpu.memref_slice %arg9[%add3A_86, %dma_start3A_93] : memref<512x64xf32, #tpu.memory_space<vmem>> -> memref<1x64xf32, #tpu.memory_space<vmem>>
      %dma_start3A_95 = tpu.memref_squeeze %dma_start3A_94 : memref<1x64xf32, #tpu.memory_space<vmem>> -> memref<64xf32, #tpu.memory_space<vmem>>
      %dma_start3A_96 = arith.constant 0 : i32
      %dma_start3A_97 = tpu.memref_slice %arg3[%squeeze3A_82, %dma_start3A_96] : memref<1000000x64xf32, #tpu.memory_space<hbm>> -> memref<1x64xf32, #tpu.memory_space<hbm>>
      %dma_start3A_98 = tpu.memref_squeeze %dma_start3A_97 : memref<1x64xf32, #tpu.memory_space<hbm>> -> memref<64xf32, #tpu.memory_space<hbm>>
      tpu.enqueue_dma source(%dma_start3A_98 : memref<64xf32, #tpu.memory_space<hbm>>) target(%dma_start3A_95 : memref<64xf32, #tpu.memory_space<vmem>>) target_semaphore(%arg10 : memref<!tpu.dma_semaphore, #tpu.memory_space<semaphore_mem>>)
      %slice3A_99 = vector.extract_strided_slice %get3A_29 {offsets = [4], sizes = [1], strides = [1]} : vector<16xi32> to vector<1xi32>
      %squeeze3A_100 = vector.extract %slice3A_99[0] : i32 from vector<1xi32>
      %mul3A_101 = arith.constant 16 : i32
      %mul3A_102 = arith.muli %scan3A_25, %mul3A_101 : i32
      %add3A_103 = arith.constant 4 : i32
      %add3A_104 = arith.addi %mul3A_102, %add3A_103 : i32
      %dma_start3A_105 = arith.constant 0 : i32
      %dma_start3A_106 = tpu.memref_slice %arg9[%add3A_104, %dma_start3A_105] : memref<512x64xf32, #tpu.memory_space<vmem>> -> memref<1x64xf32, #tpu.memory_space<vmem>>
      %dma_start3A_107 = tpu.memref_squeeze %dma_start3A_106 : memref<1x64xf32, #tpu.memory_space<vmem>> -> memref<64xf32, #tpu.memory_space<vmem>>
      %dma_start3A_108 = arith.constant 0 : i32
      %dma_start3A_109 = tpu.memref_slice %arg3[%squeeze3A_100, %dma_start3A_108] : memref<1000000x64xf32, #tpu.memory_space<hbm>> -> memref<1x64xf32, #tpu.memory_space<hbm>>
      %dma_start3A_110 = tpu.memref_squeeze %dma_start3A_109 : memref<1x64xf32, #tpu.memory_space<hbm>> -> memref<64xf32, #tpu.memory_space<hbm>>
      %dma_start3A_111 = arith.constant 0 : i32
      %dma_start3A_112 = tpu.memref_slice %arg9[%add3A_104, %dma_start3A_111] : memref<512x64xf32, #tpu.memory_space<vmem>> -> memref<1x64xf32, #tpu.memory_space<vmem>>
      %dma_start3A_113 = tpu.memref_squeeze %dma_start3A_112 : memref<1x64xf32, #tpu.memory_space<vmem>> -> memref<64xf32, #tpu.memory_space<vmem>>
      %dma_start3A_114 = arith.constant 0 : i32
      %dma_start3A_115 = tpu.memref_slice %arg3[%squeeze3A_100, %dma_start3A_114] : memref<1000000x64xf32, #tpu.memory_space<hbm>> -> memref<1x64xf32, #tpu.memory_space<hbm>>
      %dma_start3A_116 = tpu.memref_squeeze %dma_start3A_115 : memref<1x64xf32, #tpu.memory_space<hbm>> -> memref<64xf32, #tpu.memory_space<hbm>>
      tpu.enqueue_dma source(%dma_start3A_116 : memref<64xf32, #tpu.memory_space<hbm>>) target(%dma_start3A_113 : memref<64xf32, #tpu.memory_space<vmem>>) target_semaphore(%arg10 : memref<!tpu.dma_semaphore, #tpu.memory_space<semaphore_mem>>)
      %slice3A_117 = vector.extract_strided_slice %get3A_29 {offsets = [5], sizes = [1], strides = [1]} : vector<16xi32> to vector<1xi32>
      %squeeze3A_118 = vector.extract %slice3A_117[0] : i32 from vector<1xi32>
      %mul3A_119 = arith.constant 16 : i32
      %mul3A_120 = arith.muli %scan3A_25, %mul3A_119 : i32
      %add3A_121 = arith.constant 5 : i32
      %add3A_122 = arith.addi %mul3A_120, %add3A_121 : i32
      %dma_start3A_123 = arith.constant 0 : i32
      %dma_start3A_124 = tpu.memref_slice %arg9[%add3A_122, %dma_start3A_123] : memref<512x64xf32, #tpu.memory_space<vmem>> -> memref<1x64xf32, #tpu.memory_space<vmem>>
      %dma_start3A_125 = tpu.memref_squeeze %dma_start3A_124 : memref<1x64xf32, #tpu.memory_space<vmem>> -> memref<64xf32, #tpu.memory_space<vmem>>
      %dma_start3A_126 = arith.constant 0 : i32
      %dma_start3A_127 = tpu.memref_slice %arg3[%squeeze3A_118, %dma_start3A_126] : memref<1000000x64xf32, #tpu.memory_space<hbm>> -> memref<1x64xf32, #tpu.memory_space<hbm>>
      %dma_start3A_128 = tpu.memref_squeeze %dma_start3A_127 : memref<1x64xf32, #tpu.memory_space<hbm>> -> memref<64xf32, #tpu.memory_space<hbm>>
      %dma_start3A_129 = arith.constant 0 : i32
      %dma_start3A_130 = tpu.memref_slice %arg9[%add3A_122, %dma_start3A_129] : memref<512x64xf32, #tpu.memory_space<vmem>> -> memref<1x64xf32, #tpu.memory_space<vmem>>
      %dma_start3A_131 = tpu.memref_squeeze %dma_start3A_130 : memref<1x64xf32, #tpu.memory_space<vmem>> -> memref<64xf32, #tpu.memory_space<vmem>>
      %dma_start3A_132 = arith.constant 0 : i32
      %dma_start3A_133 = tpu.memref_slice %arg3[%squeeze3A_118, %dma_start3A_132] : memref<1000000x64xf32, #tpu.memory_space<hbm>> -> memref<1x64xf32, #tpu.memory_space<hbm>>
      %dma_start3A_134 = tpu.memref_squeeze %dma_start3A_133 : memref<1x64xf32, #tpu.memory_space<hbm>> -> memref<64xf32, #tpu.memory_space<hbm>>
      tpu.enqueue_dma source(%dma_start3A_134 : memref<64xf32, #tpu.memory_space<hbm>>) target(%dma_start3A_131 : memref<64xf32, #tpu.memory_space<vmem>>) target_semaphore(%arg10 : memref<!tpu.dma_semaphore, #tpu.memory_space<semaphore_mem>>)
      %slice3A_135 = vector.extract_strided_slice %get3A_29 {offsets = [6], sizes = [1], strides = [1]} : vector<16xi32> to vector<1xi32>
      %squeeze3A_136 = vector.extract %slice3A_135[0] : i32 from vector<1xi32>
      %mul3A_137 = arith.constant 16 : i32
      %mul3A_138 = arith.muli %scan3A_25, %mul3A_137 : i32
      %add3A_139 = arith.constant 6 : i32
      %add3A_140 = arith.addi %mul3A_138, %add3A_139 : i32
      %dma_start3A_141 = arith.constant 0 : i32
      %dma_start3A_142 = tpu.memref_slice %arg9[%add3A_140, %dma_start3A_141] : memref<512x64xf32, #tpu.memory_space<vmem>> -> memref<1x64xf32, #tpu.memory_space<vmem>>
      %dma_start3A_143 = tpu.memref_squeeze %dma_start3A_142 : memref<1x64xf32, #tpu.memory_space<vmem>> -> memref<64xf32, #tpu.memory_space<vmem>>
      %dma_start3A_144 = arith.constant 0 : i32
      %dma_start3A_145 = tpu.memref_slice %arg3[%squeeze3A_136, %dma_start3A_144] : memref<1000000x64xf32, #tpu.memory_space<hbm>> -> memref<1x64xf32, #tpu.memory_space<hbm>>
      %dma_start3A_146 = tpu.memref_squeeze %dma_start3A_145 : memref<1x64xf32, #tpu.memory_space<hbm>> -> memref<64xf32, #tpu.memory_space<hbm>>
      %dma_start3A_147 = arith.constant 0 : i32
      %dma_start3A_148 = tpu.memref_slice %arg9[%add3A_140, %dma_start3A_147] : memref<512x64xf32, #tpu.memory_space<vmem>> -> memref<1x64xf32, #tpu.memory_space<vmem>>
      %dma_start3A_149 = tpu.memref_squeeze %dma_start3A_148 : memref<1x64xf32, #tpu.memory_space<vmem>> -> memref<64xf32, #tpu.memory_space<vmem>>
      %dma_start3A_150 = arith.constant 0 : i32
      %dma_start3A_151 = tpu.memref_slice %arg3[%squeeze3A_136, %dma_start3A_150] : memref<1000000x64xf32, #tpu.memory_space<hbm>> -> memref<1x64xf32, #tpu.memory_space<hbm>>
      %dma_start3A_152 = tpu.memref_squeeze %dma_start3A_151 : memref<1x64xf32, #tpu.memory_space<hbm>> -> memref<64xf32, #tpu.memory_space<hbm>>
      tpu.enqueue_dma source(%dma_start3A_152 : memref<64xf32, #tpu.memory_space<hbm>>) target(%dma_start3A_149 : memref<64xf32, #tpu.memory_space<vmem>>) target_semaphore(%arg10 : memref<!tpu.dma_semaphore, #tpu.memory_space<semaphore_mem>>)
      %slice3A_153 = vector.extract_strided_slice %get3A_29 {offsets = [7], sizes = [1], strides = [1]} : vector<16xi32> to vector<1xi32>
      %squeeze3A_154 = vector.extract %slice3A_153[0] : i32 from vector<1xi32>
      %mul3A_155 = arith.constant 16 : i32
      %mul3A_156 = arith.muli %scan3A_25, %mul3A_155 : i32
      %add3A_157 = arith.constant 7 : i32
      %add3A_158 = arith.addi %mul3A_156, %add3A_157 : i32
      %dma_start3A_159 = arith.constant 0 : i32
      %dma_start3A_160 = tpu.memref_slice %arg9[%add3A_158, %dma_start3A_159] : memref<512x64xf32, #tpu.memory_space<vmem>> -> memref<1x64xf32, #tpu.memory_space<vmem>>
      %dma_start3A_161 = tpu.memref_squeeze %dma_start3A_160 : memref<1x64xf32, #tpu.memory_space<vmem>> -> memref<64xf32, #tpu.memory_space<vmem>>
      %dma_start3A_162 = arith.constant 0 : i32
      %dma_start3A_163 = tpu.memref_slice %arg3[%squeeze3A_154, %dma_start3A_162] : memref<1000000x64xf32, #tpu.memory_space<hbm>> -> memref<1x64xf32, #tpu.memory_space<hbm>>
      %dma_start3A_164 = tpu.memref_squeeze %dma_start3A_163 : memref<1x64xf32, #tpu.memory_space<hbm>> -> memref<64xf32, #tpu.memory_space<hbm>>
      %dma_start3A_165 = arith.constant 0 : i32
      %dma_start3A_166 = tpu.memref_slice %arg9[%add3A_158, %dma_start3A_165] : memref<512x64xf32, #tpu.memory_space<vmem>> -> memref<1x64xf32, #tpu.memory_space<vmem>>
      %dma_start3A_167 = tpu.memref_squeeze %dma_start3A_166 : memref<1x64xf32, #tpu.memory_space<vmem>> -> memref<64xf32, #tpu.memory_space<vmem>>
      %dma_start3A_168 = arith.constant 0 : i32
      %dma_start3A_169 = tpu.memref_slice %arg3[%squeeze3A_154, %dma_start3A_168] : memref<1000000x64xf32, #tpu.memory_space<hbm>> -> memref<1x64xf32, #tpu.memory_space<hbm>>
      %dma_start3A_170 = tpu.memref_squeeze %dma_start3A_169 : memref<1x64xf32, #tpu.memory_space<hbm>> -> memref<64xf32, #tpu.memory_space<hbm>>
      tpu.enqueue_dma source(%dma_start3A_170 : memref<64xf32, #tpu.memory_space<hbm>>) target(%dma_start3A_167 : memref<64xf32, #tpu.memory_space<vmem>>) target_semaphore(%arg10 : memref<!tpu.dma_semaphore, #tpu.memory_space<semaphore_mem>>)
      %slice3A_171 = vector.extract_strided_slice %get3A_29 {offsets = [8], sizes = [1], strides = [1]} : vector<16xi32> to vector<1xi32>
      %squeeze3A_172 = vector.extract %slice3A_171[0] : i32 from vector<1xi32>
      %mul3A_173 = arith.constant 16 : i32
      %mul3A_174 = arith.muli %scan3A_25, %mul3A_173 : i32
      %add3A_175 = arith.constant 8 : i32
      %add3A_176 = arith.addi %mul3A_174, %add3A_175 : i32
      %dma_start3A_177 = arith.constant 0 : i32
      %dma_start3A_178 = tpu.memref_slice %arg9[%add3A_176, %dma_start3A_177] : memref<512x64xf32, #tpu.memory_space<vmem>> -> memref<1x64xf32, #tpu.memory_space<vmem>>
      %dma_start3A_179 = tpu.memref_squeeze %dma_start3A_178 : memref<1x64xf32, #tpu.memory_space<vmem>> -> memref<64xf32, #tpu.memory_space<vmem>>
      %dma_start3A_180 = arith.constant 0 : i32
      %dma_start3A_181 = tpu.memref_slice %arg3[%squeeze3A_172, %dma_start3A_180] : memref<1000000x64xf32, #tpu.memory_space<hbm>> -> memref<1x64xf32, #tpu.memory_space<hbm>>
      %dma_start3A_182 = tpu.memref_squeeze %dma_start3A_181 : memref<1x64xf32, #tpu.memory_space<hbm>> -> memref<64xf32, #tpu.memory_space<hbm>>
      %dma_start3A_183 = arith.constant 0 : i32
      %dma_start3A_184 = tpu.memref_slice %arg9[%add3A_176, %dma_start3A_183] : memref<512x64xf32, #tpu.memory_space<vmem>> -> memref<1x64xf32, #tpu.memory_space<vmem>>
      %dma_start3A_185 = tpu.memref_squeeze %dma_start3A_184 : memref<1x64xf32, #tpu.memory_space<vmem>> -> memref<64xf32, #tpu.memory_space<vmem>>
      %dma_start3A_186 = arith.constant 0 : i32
      %dma_start3A_187 = tpu.memref_slice %arg3[%squeeze3A_172, %dma_start3A_186] : memref<1000000x64xf32, #tpu.memory_space<hbm>> -> memref<1x64xf32, #tpu.memory_space<hbm>>
      %dma_start3A_188 = tpu.memref_squeeze %dma_start3A_187 : memref<1x64xf32, #tpu.memory_space<hbm>> -> memref<64xf32, #tpu.memory_space<hbm>>
      tpu.enqueue_dma source(%dma_start3A_188 : memref<64xf32, #tpu.memory_space<hbm>>) target(%dma_start3A_185 : memref<64xf32, #tpu.memory_space<vmem>>) target_semaphore(%arg10 : memref<!tpu.dma_semaphore, #tpu.memory_space<semaphore_mem>>)
      %slice3A_189 = vector.extract_strided_slice %get3A_29 {offsets = [9], sizes = [1], strides = [1]} : vector<16xi32> to vector<1xi32>
      %squeeze3A_190 = vector.extract %slice3A_189[0] : i32 from vector<1xi32>
      %mul3A_191 = arith.constant 16 : i32
      %mul3A_192 = arith.muli %scan3A_25, %mul3A_191 : i32
      %add3A_193 = arith.constant 9 : i32
      %add3A_194 = arith.addi %mul3A_192, %add3A_193 : i32
      %dma_start3A_195 = arith.constant 0 : i32
      %dma_start3A_196 = tpu.memref_slice %arg9[%add3A_194, %dma_start3A_195] : memref<512x64xf32, #tpu.memory_space<vmem>> -> memref<1x64xf32, #tpu.memory_space<vmem>>
      %dma_start3A_197 = tpu.memref_squeeze %dma_start3A_196 : memref<1x64xf32, #tpu.memory_space<vmem>> -> memref<64xf32, #tpu.memory_space<vmem>>
      %dma_start3A_198 = arith.constant 0 : i32
      %dma_start3A_199 = tpu.memref_slice %arg3[%squeeze3A_190, %dma_start3A_198] : memref<1000000x64xf32, #tpu.memory_space<hbm>> -> memref<1x64xf32, #tpu.memory_space<hbm>>
      %dma_start3A_200 = tpu.memref_squeeze %dma_start3A_199 : memref<1x64xf32, #tpu.memory_space<hbm>> -> memref<64xf32, #tpu.memory_space<hbm>>
      %dma_start3A_201 = arith.constant 0 : i32
      %dma_start3A_202 = tpu.memref_slice %arg9[%add3A_194, %dma_start3A_201] : memref<512x64xf32, #tpu.memory_space<vmem>> -> memref<1x64xf32, #tpu.memory_space<vmem>>
      %dma_start3A_203 = tpu.memref_squeeze %dma_start3A_202 : memref<1x64xf32, #tpu.memory_space<vmem>> -> memref<64xf32, #tpu.memory_space<vmem>>
      %dma_start3A_204 = arith.constant 0 : i32
      %dma_start3A_205 = tpu.memref_slice %arg3[%squeeze3A_190, %dma_start3A_204] : memref<1000000x64xf32, #tpu.memory_space<hbm>> -> memref<1x64xf32, #tpu.memory_space<hbm>>
      %dma_start3A_206 = tpu.memref_squeeze %dma_start3A_205 : memref<1x64xf32, #tpu.memory_space<hbm>> -> memref<64xf32, #tpu.memory_space<hbm>>
      tpu.enqueue_dma source(%dma_start3A_206 : memref<64xf32, #tpu.memory_space<hbm>>) target(%dma_start3A_203 : memref<64xf32, #tpu.memory_space<vmem>>) target_semaphore(%arg10 : memref<!tpu.dma_semaphore, #tpu.memory_space<semaphore_mem>>)
      %slice3A_207 = vector.extract_strided_slice %get3A_29 {offsets = [10], sizes = [1], strides = [1]} : vector<16xi32> to vector<1xi32>
      %squeeze3A_208 = vector.extract %slice3A_207[0] : i32 from vector<1xi32>
      %mul3A_209 = arith.constant 16 : i32
      %mul3A_210 = arith.muli %scan3A_25, %mul3A_209 : i32
      %add3A_211 = arith.constant 10 : i32
      %add3A_212 = arith.addi %mul3A_210, %add3A_211 : i32
      %dma_start3A_213 = arith.constant 0 : i32
      %dma_start3A_214 = tpu.memref_slice %arg9[%add3A_212, %dma_start3A_213] : memref<512x64xf32, #tpu.memory_space<vmem>> -> memref<1x64xf32, #tpu.memory_space<vmem>>
      %dma_start3A_215 = tpu.memref_squeeze %dma_start3A_214 : memref<1x64xf32, #tpu.memory_space<vmem>> -> memref<64xf32, #tpu.memory_space<vmem>>
      %dma_start3A_216 = arith.constant 0 : i32
      %dma_start3A_217 = tpu.memref_slice %arg3[%squeeze3A_208, %dma_start3A_216] : memref<1000000x64xf32, #tpu.memory_space<hbm>> -> memref<1x64xf32, #tpu.memory_space<hbm>>
      %dma_start3A_218 = tpu.memref_squeeze %dma_start3A_217 : memref<1x64xf32, #tpu.memory_space<hbm>> -> memref<64xf32, #tpu.memory_space<hbm>>
      %dma_start3A_219 = arith.constant 0 : i32
      %dma_start3A_220 = tpu.memref_slice %arg9[%add3A_212, %dma_start3A_219] : memref<512x64xf32, #tpu.memory_space<vmem>> -> memref<1x64xf32, #tpu.memory_space<vmem>>
      %dma_start3A_221 = tpu.memref_squeeze %dma_start3A_220 : memref<1x64xf32, #tpu.memory_space<vmem>> -> memref<64xf32, #tpu.memory_space<vmem>>
      %dma_start3A_222 = arith.constant 0 : i32
      %dma_start3A_223 = tpu.memref_slice %arg3[%squeeze3A_208, %dma_start3A_222] : memref<1000000x64xf32, #tpu.memory_space<hbm>> -> memref<1x64xf32, #tpu.memory_space<hbm>>
      %dma_start3A_224 = tpu.memref_squeeze %dma_start3A_223 : memref<1x64xf32, #tpu.memory_space<hbm>> -> memref<64xf32, #tpu.memory_space<hbm>>
      tpu.enqueue_dma source(%dma_start3A_224 : memref<64xf32, #tpu.memory_space<hbm>>) target(%dma_start3A_221 : memref<64xf32, #tpu.memory_space<vmem>>) target_semaphore(%arg10 : memref<!tpu.dma_semaphore, #tpu.memory_space<semaphore_mem>>)
      %slice3A_225 = vector.extract_strided_slice %get3A_29 {offsets = [11], sizes = [1], strides = [1]} : vector<16xi32> to vector<1xi32>
      %squeeze3A_226 = vector.extract %slice3A_225[0] : i32 from vector<1xi32>
      %mul3A_227 = arith.constant 16 : i32
      %mul3A_228 = arith.muli %scan3A_25, %mul3A_227 : i32
      %add3A_229 = arith.constant 11 : i32
      %add3A_230 = arith.addi %mul3A_228, %add3A_229 : i32
      %dma_start3A_231 = arith.constant 0 : i32
      %dma_start3A_232 = tpu.memref_slice %arg9[%add3A_230, %dma_start3A_231] : memref<512x64xf32, #tpu.memory_space<vmem>> -> memref<1x64xf32, #tpu.memory_space<vmem>>
      %dma_start3A_233 = tpu.memref_squeeze %dma_start3A_232 : memref<1x64xf32, #tpu.memory_space<vmem>> -> memref<64xf32, #tpu.memory_space<vmem>>
      %dma_start3A_234 = arith.constant 0 : i32
      %dma_start3A_235 = tpu.memref_slice %arg3[%squeeze3A_226, %dma_start3A_234] : memref<1000000x64xf32, #tpu.memory_space<hbm>> -> memref<1x64xf32, #tpu.memory_space<hbm>>
      %dma_start3A_236 = tpu.memref_squeeze %dma_start3A_235 : memref<1x64xf32, #tpu.memory_space<hbm>> -> memref<64xf32, #tpu.memory_space<hbm>>
      %dma_start3A_237 = arith.constant 0 : i32
      %dma_start3A_238 = tpu.memref_slice %arg9[%add3A_230, %dma_start3A_237] : memref<512x64xf32, #tpu.memory_space<vmem>> -> memref<1x64xf32, #tpu.memory_space<vmem>>
      %dma_start3A_239 = tpu.memref_squeeze %dma_start3A_238 : memref<1x64xf32, #tpu.memory_space<vmem>> -> memref<64xf32, #tpu.memory_space<vmem>>
      %dma_start3A_240 = arith.constant 0 : i32
      %dma_start3A_241 = tpu.memref_slice %arg3[%squeeze3A_226, %dma_start3A_240] : memref<1000000x64xf32, #tpu.memory_space<hbm>> -> memref<1x64xf32, #tpu.memory_space<hbm>>
      %dma_start3A_242 = tpu.memref_squeeze %dma_start3A_241 : memref<1x64xf32, #tpu.memory_space<hbm>> -> memref<64xf32, #tpu.memory_space<hbm>>
      tpu.enqueue_dma source(%dma_start3A_242 : memref<64xf32, #tpu.memory_space<hbm>>) target(%dma_start3A_239 : memref<64xf32, #tpu.memory_space<vmem>>) target_semaphore(%arg10 : memref<!tpu.dma_semaphore, #tpu.memory_space<semaphore_mem>>)
      %slice3A_243 = vector.extract_strided_slice %get3A_29 {offsets = [12], sizes = [1], strides = [1]} : vector<16xi32> to vector<1xi32>
      %squeeze3A_244 = vector.extract %slice3A_243[0] : i32 from vector<1xi32>
      %mul3A_245 = arith.constant 16 : i32
      %mul3A_246 = arith.muli %scan3A_25, %mul3A_245 : i32
      %add3A_247 = arith.constant 12 : i32
      %add3A_248 = arith.addi %mul3A_246, %add3A_247 : i32
      %dma_start3A_249 = arith.constant 0 : i32
      %dma_start3A_250 = tpu.memref_slice %arg9[%add3A_248, %dma_start3A_249] : memref<512x64xf32, #tpu.memory_space<vmem>> -> memref<1x64xf32, #tpu.memory_space<vmem>>
      %dma_start3A_251 = tpu.memref_squeeze %dma_start3A_250 : memref<1x64xf32, #tpu.memory_space<vmem>> -> memref<64xf32, #tpu.memory_space<vmem>>
      %dma_start3A_252 = arith.constant 0 : i32
      %dma_start3A_253 = tpu.memref_slice %arg3[%squeeze3A_244, %dma_start3A_252] : memref<1000000x64xf32, #tpu.memory_space<hbm>> -> memref<1x64xf32, #tpu.memory_space<hbm>>
      %dma_start3A_254 = tpu.memref_squeeze %dma_start3A_253 : memref<1x64xf32, #tpu.memory_space<hbm>> -> memref<64xf32, #tpu.memory_space<hbm>>
      %dma_start3A_255 = arith.constant 0 : i32
      %dma_start3A_256 = tpu.memref_slice %arg9[%add3A_248, %dma_start3A_255] : memref<512x64xf32, #tpu.memory_space<vmem>> -> memref<1x64xf32, #tpu.memory_space<vmem>>
      %dma_start3A_257 = tpu.memref_squeeze %dma_start3A_256 : memref<1x64xf32, #tpu.memory_space<vmem>> -> memref<64xf32, #tpu.memory_space<vmem>>
      %dma_start3A_258 = arith.constant 0 : i32
      %dma_start3A_259 = tpu.memref_slice %arg3[%squeeze3A_244, %dma_start3A_258] : memref<1000000x64xf32, #tpu.memory_space<hbm>> -> memref<1x64xf32, #tpu.memory_space<hbm>>
      %dma_start3A_260 = tpu.memref_squeeze %dma_start3A_259 : memref<1x64xf32, #tpu.memory_space<hbm>> -> memref<64xf32, #tpu.memory_space<hbm>>
      tpu.enqueue_dma source(%dma_start3A_260 : memref<64xf32, #tpu.memory_space<hbm>>) target(%dma_start3A_257 : memref<64xf32, #tpu.memory_space<vmem>>) target_semaphore(%arg10 : memref<!tpu.dma_semaphore, #tpu.memory_space<semaphore_mem>>)
      %slice3A_261 = vector.extract_strided_slice %get3A_29 {offsets = [13], sizes = [1], strides = [1]} : vector<16xi32> to vector<1xi32>
      %squeeze3A_262 = vector.extract %slice3A_261[0] : i32 from vector<1xi32>
      %mul3A_263 = arith.constant 16 : i32
      %mul3A_264 = arith.muli %scan3A_25, %mul3A_263 : i32
      %add3A_265 = arith.constant 13 : i32
      %add3A_266 = arith.addi %mul3A_264, %add3A_265 : i32
      %dma_start3A_267 = arith.constant 0 : i32
      %dma_start3A_268 = tpu.memref_slice %arg9[%add3A_266, %dma_start3A_267] : memref<512x64xf32, #tpu.memory_space<vmem>> -> memref<1x64xf32, #tpu.memory_space<vmem>>
      %dma_start3A_269 = tpu.memref_squeeze %dma_start3A_268 : memref<1x64xf32, #tpu.memory_space<vmem>> -> memref<64xf32, #tpu.memory_space<vmem>>
      %dma_start3A_270 = arith.constant 0 : i32
      %dma_start3A_271 = tpu.memref_slice %arg3[%squeeze3A_262, %dma_start3A_270] : memref<1000000x64xf32, #tpu.memory_space<hbm>> -> memref<1x64xf32, #tpu.memory_space<hbm>>
      %dma_start3A_272 = tpu.memref_squeeze %dma_start3A_271 : memref<1x64xf32, #tpu.memory_space<hbm>> -> memref<64xf32, #tpu.memory_space<hbm>>
      %dma_start3A_273 = arith.constant 0 : i32
      %dma_start3A_274 = tpu.memref_slice %arg9[%add3A_266, %dma_start3A_273] : memref<512x64xf32, #tpu.memory_space<vmem>> -> memref<1x64xf32, #tpu.memory_space<vmem>>
      %dma_start3A_275 = tpu.memref_squeeze %dma_start3A_274 : memref<1x64xf32, #tpu.memory_space<vmem>> -> memref<64xf32, #tpu.memory_space<vmem>>
      %dma_start3A_276 = arith.constant 0 : i32
      %dma_start3A_277 = tpu.memref_slice %arg3[%squeeze3A_262, %dma_start3A_276] : memref<1000000x64xf32, #tpu.memory_space<hbm>> -> memref<1x64xf32, #tpu.memory_space<hbm>>
      %dma_start3A_278 = tpu.memref_squeeze %dma_start3A_277 : memref<1x64xf32, #tpu.memory_space<hbm>> -> memref<64xf32, #tpu.memory_space<hbm>>
      tpu.enqueue_dma source(%dma_start3A_278 : memref<64xf32, #tpu.memory_space<hbm>>) target(%dma_start3A_275 : memref<64xf32, #tpu.memory_space<vmem>>) target_semaphore(%arg10 : memref<!tpu.dma_semaphore, #tpu.memory_space<semaphore_mem>>)
      %slice3A_279 = vector.extract_strided_slice %get3A_29 {offsets = [14], sizes = [1], strides = [1]} : vector<16xi32> to vector<1xi32>
      %squeeze3A_280 = vector.extract %slice3A_279[0] : i32 from vector<1xi32>
      %mul3A_281 = arith.constant 16 : i32
      %mul3A_282 = arith.muli %scan3A_25, %mul3A_281 : i32
      %add3A_283 = arith.constant 14 : i32
      %add3A_284 = arith.addi %mul3A_282, %add3A_283 : i32
      %dma_start3A_285 = arith.constant 0 : i32
      %dma_start3A_286 = tpu.memref_slice %arg9[%add3A_284, %dma_start3A_285] : memref<512x64xf32, #tpu.memory_space<vmem>> -> memref<1x64xf32, #tpu.memory_space<vmem>>
      %dma_start3A_287 = tpu.memref_squeeze %dma_start3A_286 : memref<1x64xf32, #tpu.memory_space<vmem>> -> memref<64xf32, #tpu.memory_space<vmem>>
      %dma_start3A_288 = arith.constant 0 : i32
      %dma_start3A_289 = tpu.memref_slice %arg3[%squeeze3A_280, %dma_start3A_288] : memref<1000000x64xf32, #tpu.memory_space<hbm>> -> memref<1x64xf32, #tpu.memory_space<hbm>>
      %dma_start3A_290 = tpu.memref_squeeze %dma_start3A_289 : memref<1x64xf32, #tpu.memory_space<hbm>> -> memref<64xf32, #tpu.memory_space<hbm>>
      %dma_start3A_291 = arith.constant 0 : i32
      %dma_start3A_292 = tpu.memref_slice %arg9[%add3A_284, %dma_start3A_291] : memref<512x64xf32, #tpu.memory_space<vmem>> -> memref<1x64xf32, #tpu.memory_space<vmem>>
      %dma_start3A_293 = tpu.memref_squeeze %dma_start3A_292 : memref<1x64xf32, #tpu.memory_space<vmem>> -> memref<64xf32, #tpu.memory_space<vmem>>
      %dma_start3A_294 = arith.constant 0 : i32
      %dma_start3A_295 = tpu.memref_slice %arg3[%squeeze3A_280, %dma_start3A_294] : memref<1000000x64xf32, #tpu.memory_space<hbm>> -> memref<1x64xf32, #tpu.memory_space<hbm>>
      %dma_start3A_296 = tpu.memref_squeeze %dma_start3A_295 : memref<1x64xf32, #tpu.memory_space<hbm>> -> memref<64xf32, #tpu.memory_space<hbm>>
      tpu.enqueue_dma source(%dma_start3A_296 : memref<64xf32, #tpu.memory_space<hbm>>) target(%dma_start3A_293 : memref<64xf32, #tpu.memory_space<vmem>>) target_semaphore(%arg10 : memref<!tpu.dma_semaphore, #tpu.memory_space<semaphore_mem>>)
      %slice3A_297 = vector.extract_strided_slice %get3A_29 {offsets = [15], sizes = [1], strides = [1]} : vector<16xi32> to vector<1xi32>
      %squeeze3A_298 = vector.extract %slice3A_297[0] : i32 from vector<1xi32>
      %mul3A_299 = arith.constant 16 : i32
      %mul3A_300 = arith.muli %scan3A_25, %mul3A_299 : i32
      %add3A_301 = arith.constant 15 : i32
      %add3A_302 = arith.addi %mul3A_300, %add3A_301 : i32
      %dma_start3A_303 = arith.constant 0 : i32
      %dma_start3A_304 = tpu.memref_slice %arg9[%add3A_302, %dma_start3A_303] : memref<512x64xf32, #tpu.memory_space<vmem>> -> memref<1x64xf32, #tpu.memory_space<vmem>>
      %dma_start3A_305 = tpu.memref_squeeze %dma_start3A_304 : memref<1x64xf32, #tpu.memory_space<vmem>> -> memref<64xf32, #tpu.memory_space<vmem>>
      %dma_start3A_306 = arith.constant 0 : i32
      %dma_start3A_307 = tpu.memref_slice %arg3[%squeeze3A_298, %dma_start3A_306] : memref<1000000x64xf32, #tpu.memory_space<hbm>> -> memref<1x64xf32, #tpu.memory_space<hbm>>
      %dma_start3A_308 = tpu.memref_squeeze %dma_start3A_307 : memref<1x64xf32, #tpu.memory_space<hbm>> -> memref<64xf32, #tpu.memory_space<hbm>>
      %dma_start3A_309 = arith.constant 0 : i32
      %dma_start3A_310 = tpu.memref_slice %arg9[%add3A_302, %dma_start3A_309] : memref<512x64xf32, #tpu.memory_space<vmem>> -> memref<1x64xf32, #tpu.memory_space<vmem>>
      %dma_start3A_311 = tpu.memref_squeeze %dma_start3A_310 : memref<1x64xf32, #tpu.memory_space<vmem>> -> memref<64xf32, #tpu.memory_space<vmem>>
      %dma_start3A_312 = arith.constant 0 : i32
      %dma_start3A_313 = tpu.memref_slice %arg3[%squeeze3A_298, %dma_start3A_312] : memref<1000000x64xf32, #tpu.memory_space<hbm>> -> memref<1x64xf32, #tpu.memory_space<hbm>>
      %dma_start3A_314 = tpu.memref_squeeze %dma_start3A_313 : memref<1x64xf32, #tpu.memory_space<hbm>> -> memref<64xf32, #tpu.memory_space<hbm>>
      tpu.enqueue_dma source(%dma_start3A_314 : memref<64xf32, #tpu.memory_space<hbm>>) target(%dma_start3A_311 : memref<64xf32, #tpu.memory_space<vmem>>) target_semaphore(%arg10 : memref<!tpu.dma_semaphore, #tpu.memory_space<semaphore_mem>>)
    }
    %scan3A_18 = arith.constant 32 : i32
    %dma_wait3A_19 = arith.constant 0 : i32
    %dma_wait3A_20 = arith.constant 0 : i32
    %dma_wait3A_21 = tpu.memref_slice %arg3[%dma_wait3A_19, %dma_wait3A_20] : memref<1000000x64xf32, #tpu.memory_space<hbm>> -> memref<512x64xf32, #tpu.memory_space<hbm>>
    %dma_wait3A_22 = arith.constant 0 : i32
    %dma_wait3A_23 = arith.constant 0 : i32
    %dma_wait3A_24 = tpu.memref_slice %arg3[%dma_wait3A_22, %dma_wait3A_23] : memref<1000000x64xf32, #tpu.memory_space<hbm>> -> memref<512x64xf32, #tpu.memory_space<hbm>>
    tpu.wait_dma2 semaphore(%arg10 : memref<!tpu.dma_semaphore, #tpu.memory_space<semaphore_mem>>) src(%dma_wait3A_24 : memref<512x64xf32, #tpu.memory_space<hbm>>) dst(%arg9 : memref<512x64xf32, #tpu.memory_space<vmem>>)
    "tpu.region"() ({
      %run_scoped3A = tpu.sem_alloc : memref<!tpu.dma_semaphore, #tpu.memory_space<semaphore_mem>>
      %dma_start3A = arith.constant 0 : i32
      %dma_start3A_25 = tpu.memref_slice %arg7[%mul3A_2, %dma_start3A] : memref<16384x64xf32, #tpu.memory_space<hbm>> -> memref<512x64xf32, #tpu.memory_space<hbm>>
      %dma_start3A_26 = arith.constant 0 : i32
      %dma_start3A_27 = tpu.memref_slice %arg7[%mul3A_2, %dma_start3A_26] : memref<16384x64xf32, #tpu.memory_space<hbm>> -> memref<512x64xf32, #tpu.memory_space<hbm>>
      tpu.enqueue_dma source(%arg9 : memref<512x64xf32, #tpu.memory_space<vmem>>) target(%dma_start3A_27 : memref<512x64xf32, #tpu.memory_space<hbm>>) target_semaphore(%run_scoped3A : memref<!tpu.dma_semaphore, #tpu.memory_space<semaphore_mem>>)
      %dma_wait3A_28 = arith.constant 0 : i32
      %dma_wait3A_29 = tpu.memref_slice %arg7[%mul3A_2, %dma_wait3A_28] : memref<16384x64xf32, #tpu.memory_space<hbm>> -> memref<512x64xf32, #tpu.memory_space<hbm>>
      %dma_wait3A_30 = arith.constant 0 : i32
      %dma_wait3A_31 = tpu.memref_slice %arg7[%mul3A_2, %dma_wait3A_30] : memref<16384x64xf32, #tpu.memory_space<hbm>> -> memref<512x64xf32, #tpu.memory_space<hbm>>
      tpu.wait_dma2 semaphore(%run_scoped3A : memref<!tpu.dma_semaphore, #tpu.memory_space<semaphore_mem>>) src(%arg9 : memref<512x64xf32, #tpu.memory_space<vmem>>) dst(%dma_wait3A_31 : memref<512x64xf32, #tpu.memory_space<hbm>>)
      tpu.yield
    }) : () -> ()
    return
  }
}

module attributes {stable_mosaic.version = 14 : i64} {
  func.func @_mlp_body(%arg0: i32, %arg1: memref<2048x64xf32, #tpu.memory_space<vmem>>, %arg2: memref<2048x64xf32, #tpu.memory_space<vmem>>, %arg3: memref<64x128xf32, #tpu.memory_space<vmem>>, %arg4: memref<64x128xf32, #tpu.memory_space<vmem>>, %arg5: memref<1x128xf32, #tpu.memory_space<vmem>>, %arg6: memref<128x64xf32, #tpu.memory_space<vmem>>, %arg7: memref<1x64xf32, #tpu.memory_space<vmem>>, %arg8: memref<64x32xf32, #tpu.memory_space<vmem>>, %arg9: memref<1x32xf32, #tpu.memory_space<vmem>>, %arg10: memref<1x32xf32, #tpu.memory_space<vmem>>, %arg11: memref<1x1xf32, #tpu.memory_space<vmem>>, %arg12: memref<2048x1xf32, #tpu.memory_space<vmem>>) attributes {dimension_semantics = [#tpu.dimension_semantics<arbitrary>], iteration_bounds = array<i64: 8>, scalar_prefetch = 0 : i64, scratch_operands = 0 : i64, tpu.core_type = #tpu.core_type<tc>, window_params = [{transform_indices = @transform_0, window_bounds = array<i64: 2048, 64>}, {transform_indices = @transform_1, window_bounds = array<i64: 2048, 64>}, {pipeline_mode = #tpu.pipeline_mode<synchronous>, transform_indices = @transform_2, window_bounds = array<i64: 64, 128>}, {pipeline_mode = #tpu.pipeline_mode<synchronous>, transform_indices = @transform_3, window_bounds = array<i64: 64, 128>}, {pipeline_mode = #tpu.pipeline_mode<synchronous>, transform_indices = @transform_4, window_bounds = array<i64: 1, 128>}, {pipeline_mode = #tpu.pipeline_mode<synchronous>, transform_indices = @transform_5, window_bounds = array<i64: 128, 64>}, {pipeline_mode = #tpu.pipeline_mode<synchronous>, transform_indices = @transform_6, window_bounds = array<i64: 1, 64>}, {pipeline_mode = #tpu.pipeline_mode<synchronous>, transform_indices = @transform_7, window_bounds = array<i64: 64, 32>}, {pipeline_mode = #tpu.pipeline_mode<synchronous>, transform_indices = @transform_8, window_bounds = array<i64: 1, 32>}, {pipeline_mode = #tpu.pipeline_mode<synchronous>, transform_indices = @transform_9, window_bounds = array<i64: 1, 32>}, {pipeline_mode = #tpu.pipeline_mode<synchronous>, transform_indices = @transform_10, window_bounds = array<i64: 1, 1>}, {transform_indices = @transform_11, window_bounds = array<i64: 2048, 1>}]} {
    %get3A = arith.constant 0 : index
    %get3A_0 = arith.constant 0 : index
    %get3A_1 = vector.load %arg1[%get3A, %get3A_0] : memref<2048x64xf32, #tpu.memory_space<vmem>>, vector<2048x64xf32>
    %get3A_2 = arith.constant 0 : index
    %get3A_3 = arith.constant 0 : index
    %get3A_4 = vector.load %arg3[%get3A_2, %get3A_3] : memref<64x128xf32, #tpu.memory_space<vmem>>, vector<64x128xf32>
    %dot_general3A = arith.constant dense<0.000000e+00> : vector<2048x128xf32>
    %dot_general3A_5 = tpu.matmul %get3A_1, %get3A_4, %dot_general3A {dimension_numbers = #tpu.dot_dimension_numbers<[1], [0], [0], [1], [0, 0, 1, 1], [], []>, transpose_lhs_hint = false} : vector<2048x64xf32>, vector<64x128xf32>, vector<2048x128xf32> -> vector<2048x128xf32>
    %get3A_6 = arith.constant 0 : index
    %get3A_7 = arith.constant 0 : index
    %get3A_8 = vector.load %arg2[%get3A_6, %get3A_7] : memref<2048x64xf32, #tpu.memory_space<vmem>>, vector<2048x64xf32>
    %get3A_9 = arith.constant 0 : index
    %get3A_10 = arith.constant 0 : index
    %get3A_11 = vector.load %arg4[%get3A_9, %get3A_10] : memref<64x128xf32, #tpu.memory_space<vmem>>, vector<64x128xf32>
    %dot_general3A_12 = arith.constant dense<0.000000e+00> : vector<2048x128xf32>
    %dot_general3A_13 = tpu.matmul %get3A_8, %get3A_11, %dot_general3A_12 {dimension_numbers = #tpu.dot_dimension_numbers<[1], [0], [0], [1], [0, 0, 1, 1], [], []>, transpose_lhs_hint = false} : vector<2048x64xf32>, vector<64x128xf32>, vector<2048x128xf32> -> vector<2048x128xf32>
    %add3A = arith.addf %dot_general3A_5, %dot_general3A_13 : vector<2048x128xf32>
    %get3A_14 = arith.constant 0 : index
    %get3A_15 = arith.constant 0 : index
    %get3A_16 = vector.load %arg5[%get3A_14, %get3A_15] : memref<1x128xf32, #tpu.memory_space<vmem>>, vector<1x128xf32>
    %add3A_17 = vector.broadcast %get3A_16 : vector<1x128xf32> to vector<2048x128xf32>
    %add3A_18 = arith.addf %add3A, %add3A_17 : vector<2048x128xf32>
    %max3A = arith.constant 0.000000e+00 : f32
    %max3A_19 = vector.broadcast %max3A : f32 to vector<2048x128xf32>
    %max3A_20 = arith.maximumf %add3A_18, %max3A_19 : vector<2048x128xf32>
    %get3A_21 = arith.constant 0 : index
    %get3A_22 = arith.constant 0 : index
    %get3A_23 = vector.load %arg6[%get3A_21, %get3A_22] : memref<128x64xf32, #tpu.memory_space<vmem>>, vector<128x64xf32>
    %dot_general3A_24 = arith.constant dense<0.000000e+00> : vector<2048x64xf32>
    %dot_general3A_25 = tpu.matmul %max3A_20, %get3A_23, %dot_general3A_24 {dimension_numbers = #tpu.dot_dimension_numbers<[1], [0], [0], [1], [0, 0, 1, 1], [], []>, transpose_lhs_hint = false} : vector<2048x128xf32>, vector<128x64xf32>, vector<2048x64xf32> -> vector<2048x64xf32>
    %get3A_26 = arith.constant 0 : index
    %get3A_27 = arith.constant 0 : index
    %get3A_28 = vector.load %arg7[%get3A_26, %get3A_27] : memref<1x64xf32, #tpu.memory_space<vmem>>, vector<1x64xf32>
    %add3A_29 = vector.broadcast %get3A_28 : vector<1x64xf32> to vector<2048x64xf32>
    %add3A_30 = arith.addf %dot_general3A_25, %add3A_29 : vector<2048x64xf32>
    %max3A_31 = arith.constant 0.000000e+00 : f32
    %max3A_32 = vector.broadcast %max3A_31 : f32 to vector<2048x64xf32>
    %max3A_33 = arith.maximumf %add3A_30, %max3A_32 : vector<2048x64xf32>
    %get3A_34 = arith.constant 0 : index
    %get3A_35 = arith.constant 0 : index
    %get3A_36 = vector.load %arg8[%get3A_34, %get3A_35] : memref<64x32xf32, #tpu.memory_space<vmem>>, vector<64x32xf32>
    %dot_general3A_37 = arith.constant dense<0.000000e+00> : vector<2048x32xf32>
    %dot_general3A_38 = tpu.matmul %max3A_33, %get3A_36, %dot_general3A_37 {dimension_numbers = #tpu.dot_dimension_numbers<[1], [0], [0], [1], [0, 0, 1, 1], [], []>, transpose_lhs_hint = false} : vector<2048x64xf32>, vector<64x32xf32>, vector<2048x32xf32> -> vector<2048x32xf32>
    %get3A_39 = arith.constant 0 : index
    %get3A_40 = arith.constant 0 : index
    %get3A_41 = vector.load %arg9[%get3A_39, %get3A_40] : memref<1x32xf32, #tpu.memory_space<vmem>>, vector<1x32xf32>
    %add3A_42 = vector.broadcast %get3A_41 : vector<1x32xf32> to vector<2048x32xf32>
    %add3A_43 = arith.addf %dot_general3A_38, %add3A_42 : vector<2048x32xf32>
    %max3A_44 = arith.constant 0.000000e+00 : f32
    %max3A_45 = vector.broadcast %max3A_44 : f32 to vector<2048x32xf32>
    %max3A_46 = arith.maximumf %add3A_43, %max3A_45 : vector<2048x32xf32>
    %get3A_47 = arith.constant 0 : index
    %get3A_48 = arith.constant 0 : index
    %get3A_49 = vector.load %arg10[%get3A_47, %get3A_48] : memref<1x32xf32, #tpu.memory_space<vmem>>, vector<1x32xf32>
    %mul3A = vector.broadcast %get3A_49 : vector<1x32xf32> to vector<2048x32xf32>
    %mul3A_50 = arith.mulf %max3A_46, %mul3A : vector<2048x32xf32>
    %reduce_sum3A = arith.constant dense<0.000000e+00> : vector<2048xf32>
    %reduce_sum3A_51 = vector.multi_reduction <add>, %mul3A_50, %reduce_sum3A [1] : vector<2048x32xf32> to vector<2048xf32>
    %broadcast_in_dim3A = vector.shape_cast %reduce_sum3A_51 : vector<2048xf32> to vector<2048x1xf32>
    %get3A_52 = arith.constant 0 : index
    %get3A_53 = arith.constant 0 : index
    %get3A_54 = vector.load %arg11[%get3A_52, %get3A_53] : memref<1x1xf32, #tpu.memory_space<vmem>>, vector<1x1xf32>
    %add3A_55 = vector.broadcast %get3A_54 : vector<1x1xf32> to vector<2048x1xf32>
    %add3A_56 = arith.addf %broadcast_in_dim3A, %add3A_55 : vector<2048x1xf32>
    %logistic3A = arith.negf %add3A_56 : vector<2048x1xf32>
    %logistic3A_57 = math.exp %logistic3A : vector<2048x1xf32>
    %logistic3A_58 = arith.constant 1.000000e+00 : f32
    %logistic3A_59 = vector.broadcast %logistic3A_58 : f32 to vector<2048x1xf32>
    %logistic3A_60 = arith.addf %logistic3A_59, %logistic3A_57 : vector<2048x1xf32>
    %logistic3A_61 = arith.divf %logistic3A_59, %logistic3A_60 : vector<2048x1xf32>
    %swap3A = arith.constant 0 : index
    %swap3A_62 = arith.constant 0 : index
    %swap3A_63 = vector.load %arg12[%swap3A, %swap3A_62] : memref<2048x1xf32, #tpu.memory_space<vmem>>, vector<2048x1xf32>
    tpu.vector_store %arg12[%swap3A, %swap3A_62], %logistic3A_61 {strides = array<i32>} : memref<2048x1xf32, #tpu.memory_space<vmem>>, vector<2048x1xf32>,
    return
  }
  func.func @transform_0(%arg0: i32) -> (i32, i32) {
    %c0_i32 = arith.constant 0 : i32
    %c0_i32_0 = arith.constant 0 : i32
    return %arg0, %c0_i32 : i32, i32
  }
  func.func @transform_1(%arg0: i32) -> (i32, i32) {
    %c0_i32 = arith.constant 0 : i32
    %c0_i32_0 = arith.constant 0 : i32
    return %arg0, %c0_i32 : i32, i32
  }
  func.func @transform_2(%arg0: i32) -> (i32, i32) {
    %c0_i32 = arith.constant 0 : i32
    %c0_i32_0 = arith.constant 0 : i32
    %c0_i32_1 = arith.constant 0 : i32
    return %c0_i32, %c0_i32_0 : i32, i32
  }
  func.func @transform_3(%arg0: i32) -> (i32, i32) {
    %c0_i32 = arith.constant 0 : i32
    %c0_i32_0 = arith.constant 0 : i32
    %c0_i32_1 = arith.constant 0 : i32
    return %c0_i32, %c0_i32_0 : i32, i32
  }
  func.func @transform_4(%arg0: i32) -> (i32, i32) {
    %c0_i32 = arith.constant 0 : i32
    %c0_i32_0 = arith.constant 0 : i32
    %c0_i32_1 = arith.constant 0 : i32
    return %c0_i32, %c0_i32_0 : i32, i32
  }
  func.func @transform_5(%arg0: i32) -> (i32, i32) {
    %c0_i32 = arith.constant 0 : i32
    %c0_i32_0 = arith.constant 0 : i32
    %c0_i32_1 = arith.constant 0 : i32
    return %c0_i32, %c0_i32_0 : i32, i32
  }
  func.func @transform_6(%arg0: i32) -> (i32, i32) {
    %c0_i32 = arith.constant 0 : i32
    %c0_i32_0 = arith.constant 0 : i32
    %c0_i32_1 = arith.constant 0 : i32
    return %c0_i32, %c0_i32_0 : i32, i32
  }
  func.func @transform_7(%arg0: i32) -> (i32, i32) {
    %c0_i32 = arith.constant 0 : i32
    %c0_i32_0 = arith.constant 0 : i32
    %c0_i32_1 = arith.constant 0 : i32
    return %c0_i32, %c0_i32_0 : i32, i32
  }
  func.func @transform_8(%arg0: i32) -> (i32, i32) {
    %c0_i32 = arith.constant 0 : i32
    %c0_i32_0 = arith.constant 0 : i32
    %c0_i32_1 = arith.constant 0 : i32
    return %c0_i32, %c0_i32_0 : i32, i32
  }
  func.func @transform_9(%arg0: i32) -> (i32, i32) {
    %c0_i32 = arith.constant 0 : i32
    %c0_i32_0 = arith.constant 0 : i32
    %c0_i32_1 = arith.constant 0 : i32
    return %c0_i32, %c0_i32_0 : i32, i32
  }
  func.func @transform_10(%arg0: i32) -> (i32, i32) {
    %c0_i32 = arith.constant 0 : i32
    %c0_i32_0 = arith.constant 0 : i32
    %c0_i32_1 = arith.constant 0 : i32
    return %c0_i32, %c0_i32_0 : i32, i32
  }
  func.func @transform_11(%arg0: i32) -> (i32, i32) {
    %c0_i32 = arith.constant 0 : i32
    %c0_i32_0 = arith.constant 0 : i32
    return %arg0, %c0_i32 : i32, i32
  }
}

</mosaic_0001>

<sc_bundles>
// kernel: kernel.4.cloned.1.call-start
scs
__scs_entry_jumppad:
0x0: {  	(pc) =	sbr.rel $0x88, $3  }
0x1: {  	(tag) =	ssettag $0x0;
	lr =	simm.s32 $0x1  }
0x2: {  	[smem:$0x3F95] =	sst lr;
	_ =	strace $0xD0000000  }
0x3: {  	_ = 	snop  }
0x4: {  	_ = 	snop  }
0x5: {  	_ = 	snop  }
0x6: {  	_ = 	snop  }
0x7: {  	_ = 	snop  }
__scs_overlays_trampoline_lowered:
0x8: {  	[smem:$0x3FA4] =	sst s0  }
0x9: {  	[smem:$0x3FA5] =	sst s1  }
0xa: {  	[smem:$0x3FA6] =	sst s2  }
0xb: {  	[smem:$0x3FA7] =	sst s3  }
0xc: {  	[smem:$0x3FA8] =	sst s4  }
0xd: {  	[smem:$0x3FA9] =	sst s5  }
0xe: {  	[smem:$0x3FAA] =	sst s6  }
0xf: {  	[smem:$0x3FAB] =	sst s7  }
0x10: {  	[smem:$0x3FAC] =	sst s8  }
0x11: {  	[smem:$0x3FAD] =	sst s9;
	s0 =	simm.s32 @!p0 $0x0  }
0x12: {  	s1 =	sld [smem:$0x3F93];
	s0 =	simm.s32 @p0 $0x1  }
0x13: {  	[smem:$0x3FAE] =	sst s0;
	s0 =	simm.s32 @!p1 $0x0  }
0x14: {  	s2 =	sld [smem:$0x3F92];
	s0 =	simm.s32 @p1 $0x1  }
0x15: {  	[smem:$0x3FAF] =	sst s0;
	s0 =	simm.s32 @!p2 $0x0  }
0x16: {  	s3 =	sld [smem:$0x3FDB];
	s0 =	simm.s32 @p2 $0x1  }
0x17: {  	s4 =	simm.s32 $0x1BF5;
	[smem:$0x3FB1] =	sst s0  }
0x18: {  	s0 =	sld [smem:$0x3F94];
	_ =	swait.ge [sflag:s4], $0x0  }
0x19: {  	s7 =	sld [smem:$0x3F95]  }
0x1a: {  	s8 =	sadd.s32 $0xFFFFE003, lr  }
0x1b: {  	s9 =	sadd.s32 $0xFFFFFEF7, lr;
	s5 =	simm.s32 $0xFFFFFFFF;
	p2 =	slt.u32 s8, $0xFFFFF086  }
0x1c: {  	p1 =	slt.u32 s9, $0xF7A;
	s5 =	simm.s32 @!p2 $0x0  }
0x1d: {  	s5 =	simm.s32 @p1 $0x1;
	p0 =	seq.s32 s7, s2  }
0x1e: {  	s7 =	smul.u32 @!p0 $0xF7A, s2;
	p2 =	seq.s32 @!p0 s5, $0x0  }
0x1f: {  	s9 =	smul.u32 $0xF7A, s1;
	s8 =	simm.s32 @!p0 $0x1BF5;
	p2 =	por !p2, p0  }
0x20: {  	[sflag:s8] =	ssyncset.s32 @!p0 $0xFFFFF086;
	s6 =	sadd.s32 @!p0 s3, s7;
	s7 =	simm.s32 @!p0 $0x108  }
0x21: {  	s3 =	sadd.s32 s3, s9;
	s6 =	sadd.s32 @!p0 $0x88, s6;
	s7 =	simm.s32 @p2 $0x1082  }
0x22: {  	[simem:s7], [sflag:s8] =	dma.local @!p0 [hbm:s6], $0xF7A  }
0x23: {  	s9 =	sor.u32 $0xD0000000, s2;
	s6 =	simm.s32 $0x108;
	_ =	swait.ge @!p0 [sflag:s8], $0x0  }
0x24: {  	s3 =	sadd.s32 $0x88, s3;
	s6 =	simm.s32 @!p1 $0x1082;
	[sflag:s4] =	ssyncset.s32 $0xFFFFF086  }
0x25: {  	[simem:s6], [sflag:s4] =	dma.local [hbm:s3], $0xF7A  }
0x26: {  	[smem:$0x3F95] =	sst s1;
	(tag) =	ssettag s2;
	_ =	strace s9  }
0x27: {  	s1 =	sld [smem:$0x3FA5]  }
0x28: {  	s2 =	sld [smem:$0x3FA6]  }
0x29: {  	s4 =	sld [smem:$0x3FA8]  }
0x2a: {  	p0 =	seq.s32 s5, $0x0;
	s5 =	sld [smem:$0x3FA9]  }
0x2b: {  	s6 =	sld [smem:$0x3FAA]  }
0x2c: {  	s7 =	sld [smem:$0x3FAB]  }
0x2d: {  	s3 =	simm.s32 $0x108;
	s8 =	sld [smem:$0x3FAC]  }
0x2e: {  	s3 =	simm.s32 @!p0 $0x1082;
	s9 =	sld [smem:$0x3FAD]  }
0x2f: {  	lr =	sadd.s32 s0, s3;
	s0 =	sld [smem:$0x3FA4]  }
0x30: {  	s3 =	sld [smem:$0x3FA7]  }
0x31: {  	[smem:$0x3FB0] =	sst s10  }
0x32: {  	s10 =	sld [smem:$0x3FAE];
	_ =	sdelay $0x3  }
0x33: {  	p0 =	seq.s32 s10, $0x1;
	s10 =	sld [smem:$0x3FB0];
	_ =	sdelay $0x3  }
0x34: {  	[smem:$0x3FB0] =	sst s10  }
0x35: {  	s10 =	sld [smem:$0x3FAF];
	_ =	sdelay $0x3  }
0x36: {  	p1 =	seq.s32 s10, $0x1;
	s10 =	sld [smem:$0x3FB0];
	_ =	sdelay $0x3  }
0x37: {  	[smem:$0x3FB0] =	sst s10  }
0x38: {  	s10 =	sld [smem:$0x3FB1]  }
0x39: {  	_ = 	snop;
	(pc) =	sbr.ind lr, $3  }
0x3a: {  	_ = 	snop  }
0x3b: {  	_ = 	snop  }
0x3c: {  	p2 =	seq.s32 s10, $0x1;
	s10 =	sld [smem:$0x3FB0]  }
0x3d: {  	_ =	shalt  }
0x3e: {  	_ =	shalt  }
0x3f: {  	_ =	shalt  }
0x40: {  	_ =	shalt  }
0x41: {  	_ =	shalt  }
0x42: {  	_ =	shalt  }
0x43: {  	_ =	shalt  }
0x44: {  	_ =	shalt  }
0x45: {  	_ =	shalt  }
0x46: {  	_ =	shalt  }
0x47: {  	_ =	shalt  }
0x48: {  	_ =	shalt  }
0x49: {  	_ =	shalt  }
0x4a: {  	_ =	shalt  }
0x4b: {  	_ =	shalt  }
0x4c: {  	_ =	shalt  }
0x4d: {  	_ =	shalt  }
0x4e: {  	_ =	shalt  }
0x4f: {  	_ =	shalt  }
0x50: {  	_ =	shalt  }
0x51: {  	_ =	shalt  }
0x52: {  	_ =	shalt  }
0x53: {  	_ =	shalt  }
0x54: {  	_ =	shalt  }
0x55: {  	_ =	shalt  }
0x56: {  	_ =	shalt  }
0x57: {  	_ =	shalt  }
0x58: {  	_ =	shalt  }
0x59: {  	_ =	shalt  }
0x5a: {  	_ =	shalt  }
0x5b: {  	_ =	shalt  }
0x5c: {  	_ =	shalt  }
0x5d: {  	_ =	shalt  }
0x5e: {  	_ =	shalt  }
0x5f: {  	_ =	shalt  }
0x60: {  	_ =	shalt  }
0x61: {  	_ =	shalt  }
0x62: {  	_ =	shalt  }
0x63: {  	_ =	shalt  }
0x64: {  	_ =	shalt  }
0x65: {  	_ =	shalt  }
0x66: {  	_ =	shalt  }
0x67: {  	_ =	shalt  }
0x68: {  	_ =	shalt  }
0x69: {  	_ =	shalt  }
0x6a: {  	_ =	shalt  }
0x6b: {  	_ =	shalt  }
0x6c: {  	_ =	shalt  }
0x6d: {  	_ =	shalt  }
0x6e: {  	_ =	shalt  }
0x6f: {  	_ =	shalt  }
0x70: {  	_ =	shalt  }
0x71: {  	_ =	shalt  }
0x72: {  	_ =	shalt  }
0x73: {  	_ =	shalt  }
0x74: {  	_ =	shalt  }
0x75: {  	_ =	shalt  }
0x76: {  	_ =	shalt  }
0x77: {  	_ =	shalt  }
0x78: {  	_ =	shalt  }
0x79: {  	_ =	shalt  }
0x7a: {  	_ =	shalt  }
0x7b: {  	_ =	shalt  }
0x7c: {  	_ =	shalt  }
0x7d: {  	_ =	shalt  }
0x7e: {  	_ =	shalt  }
0x7f: {  	_ =	shalt  }
0x80: {  	_ =	shalt  }
0x81: {  	_ =	shalt  }
0x82: {  	_ =	shalt  }
0x83: {  	_ =	shalt  }
0x84: {  	_ =	shalt  }
0x85: {  	_ =	shalt  }
0x86: {  	_ =	shalt  }
0x87: {  	_ =	shalt  }
.Lfunc_end0:
.L_simem_size_0:
called_computation_lowered:
.L_overlay_start_0:
0x88: {  	s2 =	sld [smem:$0x3FD9]  }
0x89: {  	s3 =	sld [smem:$0x3FFE];
	_ =	sdelay $0x1  }
0x8a: {  	s1 =	srdreg.scid  }
0x8b: {  	s0 =	sand.u32 $0x1, s1  }
0x8c: {  	s17 =	sshll.u32 s0, $0xA;
	s2 =	sadd.s32 s3, s2  }
0x8d: {  	s2 =	sadd.s32 s2, s17  }
0x8e: {  	[smem:$0x3FBC] =	sst s2  }
0x8f: {  	_ = 	snop  }
0x90: {  	s2 =	sld [smem:$0x3FD0];
	(tm) =	ssettm $0x1  }
0x91: {  	s18 =	sld [smem:$0x3FFB];
	_ =	sdelay $0x3  }
0x92: {  	_ =	strace s18  }
0x93: {  	s3 =	sld [smem:$0x3FFC];
	_ =	sdelay $0x3  }
0x94: {  	_ =	strace s3  }
0x95: {  	s3 =	sld [smem:$0x3FFD];
	_ =	sdelay $0x3  }
0x96: {  	_ =	strace s3  }
0x97: {  	_ =	strace $0x8FFFFFFF  }
0x98: {  	s19 =	sld [smem:$0x3FDB];
	_ =	sdelay $0x1  }
0x99: {  	s4 =	simm.s32 $_scs_section_size  }
0x9a: {  	s5 =	simm.s32 $_size__tile_overlayer_lowered;
	s6 =	simm.s32 $_tile_overlayer_lowered  }
0x9b: {  	s22 =	simm.s32 $0x1BFF;
	s21 =	sshll.u32 s6, $0x1;
	s3 =	sadd.s32 s4, s19  }
0x9c: {  	s7 =	simm.s32 $0x0;
	s20 =	sshll.u32 s5, $0x1;
	s5 =	sadd.s32 s21, s3  }
0x9d: {  	[timem:s7], [sflag:s22] =	dma.local [hbm:s5], s20  }
0x9e: {  	_ =	swait.ge [sflag:s22], s20  }
0x9f: {  	s4 =	ssub.s32 $0x0, s20;
	[sflag:s22] =	ssyncset.done $0x0  }
0xa0: {  	[sflag:s22] =	ssyncadd.s32 s4;
	_ =	sdelay $0x1  }
0xa1: {  	s23 =	simm.s32 $0x1B8B  }
0xa2: {  	_ =	swait.ge [sflag:s23], $0x1  }
0xa3: {  	[sflag:s23] =	ssyncset.done $0x0  }
0xa4: {  	s25 =	simm.s32 $0x1B8E;
	s24 =	sld [smem:$0x3FFE];
	[sflag:s23] =	ssyncadd.s32 $0xFFFFFFFF  }
0xa5: {  	s26 =	simm.s32 $execute0_lowered;
	[smem:$0x3FD2] =	sst s25  }
0xa6: {  	s5 =	sshll.u32 s26, $0x1;
	_ =	strace $0x80000046;
	[dreg:$0x1] =	wrdreg $0xFFFFFFFF  }
0xa7: {  	s28 =	simm.s32 $_size_execute0_lowered;
	s3 =	sadd.s32 s3, s5;
	[dreg:$0x0] =	wrdreg $0x0  }
0xa8: {  	s5 =	sshll.u32 s28, $0x1;
	[dreg:$0x2] =	wrdreg s3  }
0xa9: {  	[dreg:$0x3] =	wrdreg s5  }
0xaa: {  	[dreg:$0x4] =	wrdreg $0xC0  }
0xab: {  	_ =	task [dreg:s7], $0x5FFFF  }
0xac: {  	[dreg:$0x1] =	wrdreg $0xFFFFFFFF  }
0xad: {  	[dreg:$0x0] =	wrdreg $0x60  }
0xae: {  	[dreg:$0x2] =	wrdreg s24  }
0xaf: {  	[dreg:$0x3] =	wrdreg s2  }
0xb0: {  	[dreg:$0x4] =	wrdreg $0x9  }
0xb1: {  	_ =	task.clear_ibuf [dreg:s7], $0x5FFFF;
	_ =	strace $0x90000046  }
0xb2: {  	s29 =	simm.s32 $0x9;
	_ =	strace $0x80000048  }
0xb3: {  	_ =	swait.ge [sflag:s29], $0x1  }
0xb4: {  	[sflag:s29] =	ssyncadd.s32 $0xFFFFFFFF  }
0xb5: {  	_ =	strace $0x90000048  }
0xb6: {  	_ =	sfence  }
0xb7: {  	s30 =	sld [smem:$0x0];
	_ =	sdelay $0x2  }
0xb8: {  	s31 =	sshll.u32 s1, $0xD;
	s1 =	sshrl.u32 s1, $0x2  }
0xb9: {  	s3 =	sand.u32 $0x4000, s31;
	s1 =	sadd.s32 s1, s30  }
0xba: {  	s0 =	sor.u32 s3, s0;
	s1 =	sshll.u32 s1, $0x11  }
0xbb: {  	s0 =	sor.u32 s1, s0  }
0xbc: {  	s0 =	sadd.s32 $0x8F2B, s0  }
0xbd: {  	[sflag:s0] =	ssyncadd.remote.s32 $0x1  }
0xbe: {  	_ =	sfence.sel $0xFFFF  }
0xbf: {  	[dreg:$0x0] =	wrdreg $0xFFFFFFFF;
	(pc) =	sbr.abs _section_cstart, $3  }
0xc0: {  	[dreg:$0x1] =	wrdreg $0xFFFFFFFF  }
0xc1: {  	_ =	task.clear_ibuf [dreg:s7], $0x2FFFF;
	_ =	strace $0x9FFFFFFF  }
0xc2: {  	(tm) =	ssettm $0x7FFFFFFF  }
0xc3: {  	_ =	shalt  }
tec
execute0_lowered:
.L_overlay_start_1:
0x0: {  	(tag) =	ssettag $0x1  }
0x1: {  	s5 =	rddreg [dreg:$0x0]  }
0x2: {  	s6 =	rddreg [dreg:$0x1]  }
0x3: {  	s3 =	srdreg.scid;
	s0 =	stileid.u32;
	s2 =	simm.s32 $0x0  }
0x4: {  	s12 =	simm.s32 $0x2;
	s13 =	simm.s32 $0x1;
	s14 =	simm.s32 $0x200  }
0x5: {  	s15 =	simm.s32 $0x0;
	s7 =	sand.u32 $0x1, s3;
	s28 =	sshll.u32 s0, $0x1  }
0x6: {  	[smem:$0x7FF] =	sst s2;
	s9 =	sshll.u32 s0, $0x7;
	s8 =	sor.u32 s7, s28  }
0x7: {  	s3 =	sadd.s32 $0x1A00, s5;
	s4 =	sadd.s32 $0xF43E00, s5;
	s10 =	sshll.u32 s8, $0x4  }
0x8: {  	_ =	strace $0x80000047;
	s7 =	ssub.s32 $0x2, s7;
	s9 =	sor.u32 s9, s10  }
0x9: {  	s8 =	sshll.u32 s8, $0xD;
	s30 =	sshrl.u32 s7, $0x1;
	s9 =	sand.u32 $0x670, s9  }
0xa: {  	s8 =	sadd.s32 s8, s5;
	s11 =	ssub.s32 s7, s30;
	s29 =	sadd.s32 s9, s5  }
0xb: {  	s31 =	sadd.s32 s6, s9;
	s6 =	sadd.s32 $0x1E86A00, s8;
	s8 =	sadd.s32 $0x1EC6A00, s8  }
0xc: {  	s9 =	smax.u32 s11, $0x1;
	[dreg:$0x3] =	wrdreg s31;
	s7 =	sadd.s32 $0x1E86200, s29  }
.LBB2_1:
0xd: {  	s0 =	rddreg [dreg:$0x3];
	s1 =	simm.s32 $0x80;
	s5 =	simm.s32 $0x400  }
0xe: {  	[tilespmem:s2], [sflag:$0x2] =	stream.strided.gather [hbm4b:s0+s1], $0x200, s5, s1, $0x38;
	[tilespmem:$0x10200] =	vst v63  }
0xf: {  	_ =	swait.ge [sflag:s12], $0x200  }
0x10: {  	[sflag:s12] =	ssyncset.done $0x0  }
0x11: {  	[sflag:s12] =	ssyncadd.s32 $0xFFFFFE00  }
0x12: {  	v0 =	vld [tilespmem:s2+$0x0];
	_ =	sdelay $0x4  }
0x13: {  	v0 =	vshll.u32 v0, $0x4  }
0x14: {  	(v2sf) =	vpush v0, $0x0  }
0x15: {  	(v2sf) =	vpush v0, $0x1  }
0x16: {  	(v2sf) =	vpush v0, $0x2;
	_ =	sdelay $0x1  }
0x17: {  	(v2sf) =	vpush v0, $0x4;
	_ =	sdelay $0x1  }
0x18: {  	(v2sf) =	vpush v0, $0x3  }
0x19: {  	(v2sf) =	vpush v0, $0x5  }
0x1a: {  	s17 =	simm.s32 $0x2000;
	s16 =	simm.s32 $0x0;
	s18 =	simm.s32 $0x0;
	(v2sf) =	vpush v0, $0x6  }
.LBB2_2:
0x1b: {  	p0 =	sne.s32 s17, $0x3E000  }
0x1c: {  	s29 =	sadd.s32 $0x280, s16;
	s22 =	sadd.s32 $0x780, s16;
	s19 =	smov.u32 s17  }
0x1d: {  	s17 =	sadd.s32 $0x2000, s17;
	s25 =	sadd.s32 $0x580, s16;
	s20 =	sadd.s32 $0x800, s16;
	(v2sf) =	vpush v0, $0x7  }
0x1e: {  	s28 =	sadd.s32 $0x480, s16;
	s24 =	sadd.s32 $0x600, s16;
	s21 =	sadd.s32 $0x880, s16  }
0x1f: {  	s30 =	sadd.s32 $0x200, s16;
	s31 =	sadd.s32 $0x400, s16;
	(v2sf) =	vpush v0, $0x8  }
0x20: {  	s0 =	sadd.s32 $0x500, s16;
	s18 =	sadd.s32 $0x10, s18  }
0x21: {  	s1 =	sadd.s32 $0x300, s16;
	s23 =	sadd.s32 $0x700, s16;
	s26 =	spop (v2sf);
	(v2sf) =	vpush v0, $0x9  }
0x22: {  	s10 =	sand.u32 $0x1FFFFFF0, s26;
	s26 =	sadd.s32 $0x680, s16;
	s11 =	spop (v2sf)  }
0x23: {  	s10 =	sadd.s32 s3, s10;
	s11 =	sand.u32 $0x1FFFFFF0, s11;
	s5 =	spop (v2sf);
	(v2sf) =	vpush v0, $0xA  }
0x24: {  	[tilespmem:s30], [sflag:$0x1] =	stream.linear.gather [hbm4b:s10+s2], $0x80, $0x38;
	[tilespmem:$0x10200] =	vst v63  }
0x25: {  	s10 =	sadd.s32 s3, s11;
	s11 =	sadd.s32 $0x380, s16;
	s30 =	spop (v2sf);
	(v2sf) =	vpush v0, $0xB  }
0x26: {  	[tilespmem:s29], [sflag:$0x1] =	stream.linear.gather [hbm4b:s10+s2], $0x80, $0x38;
	[tilespmem:$0x10200] =	vst v63  }
0x27: {  	s5 =	sand.u32 $0x1FFFFFF0, s5;
	s10 =	sand.u32 $0x1FFFFFF0, s30;
	s29 =	spop (v2sf);
	(v2sf) =	vpush v0, $0xC  }
0x28: {  	s5 =	sadd.s32 s3, s5;
	s29 =	sand.u32 $0x1FFFFFF0, s29;
	s30 =	spop (v2sf)  }
0x29: {  	[tilespmem:s1], [sflag:$0x1] =	stream.linear.gather [hbm4b:s5+s2], $0x80, $0x38;
	(v2sf) =	vpush v0, $0xD;
	[tilespmem:$0x10200] =	vst v63  }
0x2a: {  	s1 =	sadd.s32 s3, s29;
	s5 =	sand.u32 $0x1FFFFFF0, s30;
	s29 =	spop (v2sf)  }
0x2b: {  	[tilespmem:s11], [sflag:$0x1] =	stream.linear.gather [hbm4b:s1+s2], $0x80, $0x38;
	(v2sf) =	vpush v0, $0xE;
	[tilespmem:$0x10200] =	vst v63  }
0x2c: {  	s1 =	sadd.s32 s3, s10;
	s10 =	sand.u32 $0x1FFFFFF0, s29;
	s11 =	spop (v2sf)  }
0x2d: {  	[tilespmem:s31], [sflag:$0x1] =	stream.linear.gather [hbm4b:s1+s2], $0x80, $0x38;
	(v2sf) =	vpush v0, $0xF;
	[tilespmem:$0x10200] =	vst v63  }
0x2e: {  	s1 =	sadd.s32 s3, s5;
	s5 =	sand.u32 $0x1FFFFFF0, s11;
	s11 =	spop (v2sf)  }
0x2f: {  	[tilespmem:s28], [sflag:$0x1] =	stream.linear.gather [hbm4b:s1+s2], $0x80, $0x38;
	[tilespmem:$0x10200] =	vst v63  }
0x30: {  	s1 =	sadd.s32 s3, s10;
	s10 =	sand.u32 $0x1FFFFFF0, s11;
	s11 =	spop (v2sf)  }
0x31: {  	[tilespmem:s0], [sflag:$0x1] =	stream.linear.gather [hbm4b:s1+s2], $0x80, $0x38;
	[tilespmem:$0x10200] =	vst v63  }
0x32: {  	s0 =	sadd.s32 s3, s5;
	s1 =	sand.u32 $0x1FFFFFF0, s11;
	s5 =	spop (v2sf)  }
0x33: {  	[tilespmem:s25], [sflag:$0x1] =	stream.linear.gather [hbm4b:s0+s2], $0x80, $0x38;
	[tilespmem:$0x10200] =	vst v63  }
0x34: {  	s0 =	sadd.s32 s3, s10;
	s5 =	sand.u32 $0x1FFFFFF0, s5;
	s10 =	spop (v2sf)  }
0x35: {  	[tilespmem:s24], [sflag:$0x1] =	stream.linear.gather [hbm4b:s0+s2], $0x80, $0x38;
	[tilespmem:$0x10200] =	vst v63  }
0x36: {  	s0 =	sadd.s32 s3, s1;
	s1 =	sand.u32 $0x1FFFFFF0, s10;
	s10 =	spop (v2sf)  }
0x37: {  	[tilespmem:s26], [sflag:$0x1] =	stream.linear.gather [hbm4b:s0+s2], $0x80, $0x38;
	[tilespmem:$0x10200] =	vst v63  }
0x38: {  	s0 =	sadd.s32 s3, s5;
	s5 =	sand.u32 $0x1FFFFFF0, s10;
	s10 =	spop (v2sf)  }
0x39: {  	[tilespmem:s23], [sflag:$0x1] =	stream.linear.gather [hbm4b:s0+s2], $0x80, $0x38;
	[tilespmem:$0x10200] =	vst v63  }
0x3a: {  	s0 =	sadd.s32 s3, s1;
	s1 =	sand.u32 $0x1FFFFFF0, s10;
	s10 =	spop (v2sf)  }
0x3b: {  	[tilespmem:s22], [sflag:$0x1] =	stream.linear.gather [hbm4b:s0+s2], $0x80, $0x38;
	[tilespmem:$0x10200] =	vst v63  }
0x3c: {  	s0 =	sadd.s32 s3, s5;
	s5 =	sand.u32 $0x1FFFFFF0, s10;
	s10 =	spop (v2sf)  }
0x3d: {  	[tilespmem:s20], [sflag:$0x1] =	stream.linear.gather [hbm4b:s0+s2], $0x80, $0x38;
	[tilespmem:$0x10200] =	vst v63  }
0x3e: {  	s0 =	sadd.s32 s3, s1;
	s1 =	sand.u32 $0x1FFFFFF0, s10  }
0x3f: {  	[tilespmem:s21], [sflag:$0x1] =	stream.linear.gather [hbm4b:s0+s2], $0x80, $0x38;
	[tilespmem:$0x10200] =	vst v63  }
0x40: {  	s5 =	sadd.s32 s3, s5;
	s0 =	sadd.s32 $0x900, s16  }
0x41: {  	[tilespmem:s0], [sflag:$0x1] =	stream.linear.gather [hbm4b:s5+s2], $0x80, $0x38;
	[tilespmem:$0x10200] =	vst v63  }
0x42: {  	s1 =	sadd.s32 s3, s1;
	s0 =	sadd.s32 $0x980, s16  }
0x43: {  	[tilespmem:s0], [sflag:$0x1] =	stream.linear.gather [hbm4b:s1+s2], $0x80, $0x38;
	[tilespmem:$0x10200] =	vst v63  }
0x44: {  	v0 =	vld [tilespmem:s18+$0x0];
	_ =	sdelay $0x4  }
0x45: {  	v0 =	vshll.u32 v0, $0x4  }
0x46: {  	(v2sf) =	vpush v0, $0x0  }
0x47: {  	(v2sf) =	vpush v0, $0x1  }
0x48: {  	(v2sf) =	vpush v0, $0x2;
	_ =	sdelay $0x1  }
0x49: {  	(v2sf) =	vpush v0, $0x4  }
.Ltmp0:
0x4a: {  	(pc) =	sbr.rel @p0 .LBB2_2-.Ltmp0, $3  }
0x4b: {  	(v2sf) =	vpush v0, $0x3  }
0x4c: {  	(v2sf) =	vpush v0, $0x5;
	_ =	sdelay $0x1  }
0x4d: {  	s16 =	sshra.s32 s19, $0x2;
	(v2sf) =	vpush v0, $0x6  }
0x4e: {  	_ =	sdelay $0x1  }
0x4f: {  	s0 =	sadd.s32 $0x280, s16;
	s19 =	sadd.s32 $0x780, s16  }
0x50: {  	s1 =	sadd.s32 $0x580, s16;
	s17 =	sadd.s32 $0x800, s16;
	(v2sf) =	vpush v0, $0x7;
	s5 =	sadd.s32 $0x480, s16  }
0x51: {  	s10 =	sadd.s32 $0x600, s16;
	s18 =	sadd.s32 $0x880, s16;
	s11 =	sadd.s32 $0x200, s16  }
0x52: {  	s20 =	sadd.s32 $0x400, s16;
	s21 =	sadd.s32 $0x500, s16;
	(v2sf) =	vpush v0, $0x8;
	s22 =	spop (v2sf)  }
0x53: {  	s23 =	sadd.s32 $0x300, s16;
	s22 =	sand.u32 $0x1FFFFFF0, s22;
	s24 =	spop (v2sf)  }
0x54: {  	(v2sf) =	vpush v0, $0x9;
	s22 =	sadd.s32 s3, s22;
	s24 =	sand.u32 $0x1FFFFFF0, s24;
	s25 =	spop (v2sf)  }
0x55: {  	[tilespmem:s11], [sflag:$0x1] =	stream.linear.gather [hbm4b:s22+s2], $0x80, $0x38;
	[tilespmem:$0x10200] =	vst v63  }
0x56: {  	s26 =	sadd.s32 $0x380, s16;
	(v2sf) =	vpush v0, $0xA;
	s30 =	sadd.s32 s3, s24;
	s31 =	spop (v2sf)  }
0x57: {  	[tilespmem:s0], [sflag:$0x1] =	stream.linear.gather [hbm4b:s30+s2], $0x80, $0x38;
	[tilespmem:$0x10200] =	vst v63  }
0x58: {  	s11 =	sadd.s32 $0x700, s16;
	s28 =	sand.u32 $0x1FFFFFF0, s25;
	(v2sf) =	vpush v0, $0xB;
	s29 =	spop (v2sf)  }
0x59: {  	s22 =	sadd.s32 s3, s28;
	s0 =	sadd.s32 $0x680, s16;
	s25 =	sand.u32 $0x1FFFFFF0, s29  }
0x5a: {  	(v2sf) =	vpush v0, $0xC;
	[tilespmem:s23], [sflag:$0x1] =	stream.linear.gather [hbm4b:s22+s2], $0x80, $0x38;
	[tilespmem:$0x10200] =	vst v63  }
0x5b: {  	s30 =	sand.u32 $0x1FFFFFF0, s31;
	s31 =	spop (v2sf);
	s28 =	sadd.s32 s3, s25  }
0x5c: {  	(v2sf) =	vpush v0, $0xD;
	[tilespmem:s26], [sflag:$0x1] =	stream.linear.gather [hbm4b:s28+s2], $0x80, $0x38;
	[tilespmem:$0x10200] =	vst v63  }
0x5d: {  	s22 =	sadd.s32 s3, s30;
	s23 =	sand.u32 $0x1FFFFFF0, s31;
	s29 =	spop (v2sf)  }
0x5e: {  	(v2sf) =	vpush v0, $0xE;
	[tilespmem:s20], [sflag:$0x1] =	stream.linear.gather [hbm4b:s22+s2], $0x80, $0x38;
	[tilespmem:$0x10200] =	vst v63  }
0x5f: {  	s23 =	sadd.s32 s3, s23;
	s30 =	sand.u32 $0x1FFFFFF0, s29;
	s31 =	spop (v2sf)  }
0x60: {  	(v2sf) =	vpush v0, $0xF;
	[tilespmem:s5], [sflag:$0x1] =	stream.linear.gather [hbm4b:s23+s2], $0x80, $0x38;
	[tilespmem:$0x10200] =	vst v63  }
0x61: {  	s24 =	sand.u32 $0x1FFFFFF0, s31;
	s25 =	spop (v2sf);
	s20 =	sadd.s32 s3, s30  }
0x62: {  	[tilespmem:s21], [sflag:$0x1] =	stream.linear.gather [hbm4b:s20+s2], $0x80, $0x38;
	[tilespmem:$0x10200] =	vst v63  }
0x63: {  	s26 =	sand.u32 $0x1FFFFFF0, s25;
	s5 =	sadd.s32 s3, s24;
	s28 =	spop (v2sf)  }
0x64: {  	[tilespmem:s1], [sflag:$0x1] =	stream.linear.gather [hbm4b:s5+s2], $0x80, $0x38;
	[tilespmem:$0x10200] =	vst v63  }
0x65: {  	s20 =	sadd.s32 s3, s26;
	s29 =	sand.u32 $0x1FFFFFF0, s28;
	s30 =	spop (v2sf)  }
0x66: {  	[tilespmem:s10], [sflag:$0x1] =	stream.linear.gather [hbm4b:s20+s2], $0x80, $0x38;
	[tilespmem:$0x10200] =	vst v63  }
0x67: {  	s5 =	sand.u32 $0x1FFFFFF0, s30;
	s1 =	sadd.s32 s3, s29;
	s31 =	spop (v2sf)  }
0x68: {  	[tilespmem:s0], [sflag:$0x1] =	stream.linear.gather [hbm4b:s1+s2], $0x80, $0x38;
	[tilespmem:$0x10200] =	vst v63  }
0x69: {  	s5 =	sadd.s32 s3, s5;
	s10 =	sand.u32 $0x1FFFFFF0, s31;
	s20 =	spop (v2sf)  }
0x6a: {  	[tilespmem:s11], [sflag:$0x1] =	stream.linear.gather [hbm4b:s5+s2], $0x80, $0x38;
	[tilespmem:$0x10200] =	vst v63  }
0x6b: {  	s0 =	sadd.s32 s3, s10;
	s1 =	sand.u32 $0x1FFFFFF0, s20;
	s21 =	spop (v2sf)  }
0x6c: {  	[tilespmem:s19], [sflag:$0x1] =	stream.linear.gather [hbm4b:s0+s2], $0x80, $0x38;
	[tilespmem:$0x10200] =	vst v63  }
0x6d: {  	s22 =	sand.u32 $0x1FFFFFF0, s21;
	s1 =	sadd.s32 s3, s1;
	s23 =	spop (v2sf)  }
0x6e: {  	[tilespmem:s17], [sflag:$0x1] =	stream.linear.gather [hbm4b:s1+s2], $0x80, $0x38;
	[tilespmem:$0x10200] =	vst v63  }
0x6f: {  	s24 =	sand.u32 $0x1FFFFFF0, s23;
	s25 =	spop (v2sf);
	s0 =	sadd.s32 s3, s22  }
0x70: {  	[tilespmem:s18], [sflag:$0x1] =	stream.linear.gather [hbm4b:s0+s2], $0x80, $0x38;
	[tilespmem:$0x10200] =	vst v63  }
0x71: {  	s28 =	sadd.s32 $0x900, s16;
	s26 =	sand.u32 $0x1FFFFFF0, s25;
	s1 =	sadd.s32 s3, s24  }
0x72: {  	[tilespmem:s28], [sflag:$0x1] =	stream.linear.gather [hbm4b:s1+s2], $0x80, $0x38;
	[tilespmem:$0x10200] =	vst v63  }
0x73: {  	s29 =	sadd.s32 $0x980, s16;
	s0 =	sadd.s32 s3, s26  }
0x74: {  	[tilespmem:s29], [sflag:$0x1] =	stream.linear.gather [hbm4b:s0+s2], $0x80, $0x38;
	[tilespmem:$0x10200] =	vst v63  }
0x75: {  	_ =	swait.ge [sflag:s13], $0x10000  }
0x76: {  	[sflag:s13] =	ssyncset.done $0x0  }
0x77: {  	s17 =	simm.s32 $0x0;
	[sflag:s13] =	ssyncadd.s32 $0xFFFF0000  }
0x78: {  	[hbm4b:s6+s17] =	stream.linear.scatter [tilespmem:s14], [sflag:$0x2], $0x10000, $0x38;
	[tilespmem:$0x10200] =	vst v63  }
0x79: {  	_ =	swait.ge [sflag:s12], $0x10000  }
0x7a: {  	[sflag:s12] =	ssyncset.done $0x0  }
0x7b: {  	s30 =	simm.s32 $0x80;
	s31 =	simm.s32 $0x400;
	[sflag:s12] =	ssyncadd.s32 $0xFFFF0000  }
0x7c: {  	[tilespmem:s17], [sflag:$0x2] =	stream.strided.gather [hbm4b:s7+s30], $0x200, s31, s30, $0x38;
	[tilespmem:$0x10200] =	vst v63  }
0x7d: {  	_ =	swait.ge [sflag:s12], $0x200  }
0x7e: {  	[sflag:s12] =	ssyncset.done $0x0  }
0x7f: {  	[sflag:s12] =	ssyncadd.s32 $0xFFFFFE00  }
0x80: {  	v0 =	vld [tilespmem:s17+$0x0];
	_ =	sdelay $0x4  }
0x81: {  	v0 =	vshll.u32 v0, $0x4  }
0x82: {  	(v2sf) =	vpush v0, $0x0  }
0x83: {  	(v2sf) =	vpush v0, $0x1  }
0x84: {  	(v2sf) =	vpush v0, $0x2;
	_ =	sdelay $0x1  }
0x85: {  	(v2sf) =	vpush v0, $0x4;
	_ =	sdelay $0x1  }
0x86: {  	(v2sf) =	vpush v0, $0x3  }
0x87: {  	(v2sf) =	vpush v0, $0x5  }
0x88: {  	s16 =	simm.s32 $0x0;
	s18 =	simm.s32 $0x2000;
	(v2sf) =	vpush v0, $0x6  }
.LBB2_4:
0x89: {  	p0 =	sne.s32 s18, $0x3E000  }
0x8a: {  	s0 =	sadd.s32 $0x280, s16;
	s22 =	sadd.s32 $0x780, s16;
	s19 =	smov.u32 s18  }
0x8b: {  	s18 =	sadd.s32 $0x2000, s18;
	s25 =	sadd.s32 $0x580, s16;
	s20 =	sadd.s32 $0x800, s16;
	(v2sf) =	vpush v0, $0x7  }
0x8c: {  	s28 =	sadd.s32 $0x480, s16;
	s24 =	sadd.s32 $0x600, s16;
	s21 =	sadd.s32 $0x880, s16  }
0x8d: {  	s1 =	sadd.s32 $0x200, s16;
	s5 =	sadd.s32 $0x400, s16;
	(v2sf) =	vpush v0, $0x8  }
0x8e: {  	s10 =	sadd.s32 $0x500, s16;
	s17 =	sadd.s32 $0x10, s17  }
0x8f: {  	s11 =	sadd.s32 $0x300, s16;
	s23 =	sadd.s32 $0x700, s16;
	s26 =	spop (v2sf);
	(v2sf) =	vpush v0, $0x9  }
0x90: {  	s29 =	sand.u32 $0x1FFFFFF0, s26;
	s26 =	sadd.s32 $0x680, s16;
	s30 =	spop (v2sf)  }
0x91: {  	s29 =	sadd.s32 s4, s29;
	s30 =	sand.u32 $0x1FFFFFF0, s30;
	s31 =	spop (v2sf);
	(v2sf) =	vpush v0, $0xA  }
0x92: {  	[tilespmem:s1], [sflag:$0x1] =	stream.linear.gather [hbm4b:s29+s2], $0x80, $0x38;
	[tilespmem:$0x10200] =	vst v63  }
0x93: {  	s1 =	sadd.s32 s4, s30;
	s29 =	sadd.s32 $0x380, s16;
	s30 =	spop (v2sf);
	(v2sf) =	vpush v0, $0xB  }
0x94: {  	[tilespmem:s0], [sflag:$0x1] =	stream.linear.gather [hbm4b:s1+s2], $0x80, $0x38;
	[tilespmem:$0x10200] =	vst v63  }
0x95: {  	s0 =	sand.u32 $0x1FFFFFF0, s31;
	s1 =	sand.u32 $0x1FFFFFF0, s30;
	s30 =	spop (v2sf);
	(v2sf) =	vpush v0, $0xC  }
0x96: {  	s0 =	sadd.s32 s4, s0;
	s30 =	sand.u32 $0x1FFFFFF0, s30;
	s31 =	spop (v2sf)  }
0x97: {  	[tilespmem:s11], [sflag:$0x1] =	stream.linear.gather [hbm4b:s0+s2], $0x80, $0x38;
	(v2sf) =	vpush v0, $0xD;
	[tilespmem:$0x10200] =	vst v63  }
0x98: {  	s0 =	sadd.s32 s4, s30;
	s11 =	sand.u32 $0x1FFFFFF0, s31;
	s30 =	spop (v2sf)  }
0x99: {  	[tilespmem:s29], [sflag:$0x1] =	stream.linear.gather [hbm4b:s0+s2], $0x80, $0x38;
	(v2sf) =	vpush v0, $0xE;
	[tilespmem:$0x10200] =	vst v63  }
0x9a: {  	s0 =	sadd.s32 s4, s1;
	s1 =	sand.u32 $0x1FFFFFF0, s30;
	s29 =	spop (v2sf)  }
0x9b: {  	[tilespmem:s5], [sflag:$0x1] =	stream.linear.gather [hbm4b:s0+s2], $0x80, $0x38;
	(v2sf) =	vpush v0, $0xF;
	[tilespmem:$0x10200] =	vst v63  }
0x9c: {  	s0 =	sadd.s32 s4, s11;
	s5 =	sand.u32 $0x1FFFFFF0, s29;
	s11 =	spop (v2sf)  }
0x9d: {  	[tilespmem:s28], [sflag:$0x1] =	stream.linear.gather [hbm4b:s0+s2], $0x80, $0x38;
	[tilespmem:$0x10200] =	vst v63  }
0x9e: {  	s0 =	sadd.s32 s4, s1;
	s1 =	sand.u32 $0x1FFFFFF0, s11;
	s11 =	spop (v2sf)  }
0x9f: {  	[tilespmem:s10], [sflag:$0x1] =	stream.linear.gather [hbm4b:s0+s2], $0x80, $0x38;
	[tilespmem:$0x10200] =	vst v63  }
0xa0: {  	s0 =	sadd.s32 s4, s5;
	s5 =	sand.u32 $0x1FFFFFF0, s11;
	s10 =	spop (v2sf)  }
0xa1: {  	[tilespmem:s25], [sflag:$0x1] =	stream.linear.gather [hbm4b:s0+s2], $0x80, $0x38;
	[tilespmem:$0x10200] =	vst v63  }
0xa2: {  	s0 =	sadd.s32 s4, s1;
	s1 =	sand.u32 $0x1FFFFFF0, s10;
	s10 =	spop (v2sf)  }
0xa3: {  	[tilespmem:s24], [sflag:$0x1] =	stream.linear.gather [hbm4b:s0+s2], $0x80, $0x38;
	[tilespmem:$0x10200] =	vst v63  }
0xa4: {  	s0 =	sadd.s32 s4, s5;
	s5 =	sand.u32 $0x1FFFFFF0, s10;
	s10 =	spop (v2sf)  }
0xa5: {  	[tilespmem:s26], [sflag:$0x1] =	stream.linear.gather [hbm4b:s0+s2], $0x80, $0x38;
	[tilespmem:$0x10200] =	vst v63  }
0xa6: {  	s0 =	sadd.s32 s4, s1;
	s1 =	sand.u32 $0x1FFFFFF0, s10;
	s10 =	spop (v2sf)  }
0xa7: {  	[tilespmem:s23], [sflag:$0x1] =	stream.linear.gather [hbm4b:s0+s2], $0x80, $0x38;
	[tilespmem:$0x10200] =	vst v63  }
0xa8: {  	s0 =	sadd.s32 s4, s5;
	s5 =	sand.u32 $0x1FFFFFF0, s10;
	s10 =	spop (v2sf)  }
0xa9: {  	[tilespmem:s22], [sflag:$0x1] =	stream.linear.gather [hbm4b:s0+s2], $0x80, $0x38;
	[tilespmem:$0x10200] =	vst v63  }
0xaa: {  	s0 =	sadd.s32 s4, s1;
	s1 =	sand.u32 $0x1FFFFFF0, s10;
	s10 =	spop (v2sf)  }
0xab: {  	[tilespmem:s20], [sflag:$0x1] =	stream.linear.gather [hbm4b:s0+s2], $0x80, $0x38;
	[tilespmem:$0x10200] =	vst v63  }
0xac: {  	s0 =	sadd.s32 s4, s5;
	s5 =	sand.u32 $0x1FFFFFF0, s10  }
0xad: {  	[tilespmem:s21], [sflag:$0x1] =	stream.linear.gather [hbm4b:s0+s2], $0x80, $0x38;
	[tilespmem:$0x10200] =	vst v63  }
0xae: {  	s1 =	sadd.s32 s4, s1;
	s0 =	sadd.s32 $0x900, s16  }
0xaf: {  	[tilespmem:s0], [sflag:$0x1] =	stream.linear.gather [hbm4b:s1+s2], $0x80, $0x38;
	[tilespmem:$0x10200] =	vst v63  }
0xb0: {  	s0 =	sadd.s32 $0x980, s16;
	s1 =	sadd.s32 s4, s5  }
0xb1: {  	[tilespmem:s0], [sflag:$0x1] =	stream.linear.gather [hbm4b:s1+s2], $0x80, $0x38;
	[tilespmem:$0x10200] =	vst v63  }
0xb2: {  	v0 =	vld [tilespmem:s17+$0x0];
	_ =	sdelay $0x4  }
0xb3: {  	v0 =	vshll.u32 v0, $0x4  }
0xb4: {  	(v2sf) =	vpush v0, $0x0  }
0xb5: {  	(v2sf) =	vpush v0, $0x1  }
0xb6: {  	(v2sf) =	vpush v0, $0x2;
	_ =	sdelay $0x1  }
0xb7: {  	(v2sf) =	vpush v0, $0x4  }
.Ltmp1:
0xb8: {  	(pc) =	sbr.rel @p0 .LBB2_4-.Ltmp1, $3  }
0xb9: {  	(v2sf) =	vpush v0, $0x3  }
0xba: {  	(v2sf) =	vpush v0, $0x5;
	_ =	sdelay $0x1  }
0xbb: {  	s16 =	sshra.s32 s19, $0x2;
	(v2sf) =	vpush v0, $0x6  }
0xbc: {  	_ =	sdelay $0x1  }
0xbd: {  	s0 =	sadd.s32 $0x280, s16;
	s19 =	sadd.s32 $0x780, s16  }
0xbe: {  	s1 =	sadd.s32 $0x580, s16;
	s17 =	sadd.s32 $0x800, s16;
	(v2sf) =	vpush v0, $0x7;
	s5 =	sadd.s32 $0x480, s16  }
0xbf: {  	s10 =	sadd.s32 $0x600, s16;
	s18 =	sadd.s32 $0x880, s16;
	s11 =	sadd.s32 $0x200, s16  }
0xc0: {  	s20 =	sadd.s32 $0x400, s16;
	s21 =	sadd.s32 $0x500, s16;
	(v2sf) =	vpush v0, $0x8;
	s22 =	spop (v2sf)  }
0xc1: {  	s23 =	sadd.s32 $0x300, s16;
	s22 =	sand.u32 $0x1FFFFFF0, s22;
	s24 =	spop (v2sf)  }
0xc2: {  	(v2sf) =	vpush v0, $0x9;
	s22 =	sadd.s32 s4, s22;
	s24 =	sand.u32 $0x1FFFFFF0, s24;
	s25 =	spop (v2sf)  }
0xc3: {  	[tilespmem:s11], [sflag:$0x1] =	stream.linear.gather [hbm4b:s22+s2], $0x80, $0x38;
	[tilespmem:$0x10200] =	vst v63  }
0xc4: {  	(v2sf) =	vpush v0, $0xA;
	s26 =	sadd.s32 s4, s24;
	s29 =	sand.u32 $0x1FFFFFF0, s25;
	s28 =	spop (v2sf)  }
0xc5: {  	[tilespmem:s0], [sflag:$0x1] =	stream.linear.gather [hbm4b:s26+s2], $0x80, $0x38;
	[tilespmem:$0x10200] =	vst v63  }
0xc6: {  	s11 =	sadd.s32 $0x700, s16;
	(v2sf) =	vpush v0, $0xB;
	s22 =	sadd.s32 s4, s29;
	s30 =	spop (v2sf)  }
0xc7: {  	s0 =	sadd.s32 $0x680, s16;
	s26 =	sadd.s32 $0x380, s16;
	s25 =	sand.u32 $0x1FFFFFF0, s30  }
0xc8: {  	(v2sf) =	vpush v0, $0xC;
	[tilespmem:s23], [sflag:$0x1] =	stream.linear.gather [hbm4b:s22+s2], $0x80, $0x38;
	[tilespmem:$0x10200] =	vst v63  }
0xc9: {  	s31 =	sand.u32 $0x1FFFFFF0, s28;
	s28 =	spop (v2sf);
	s29 =	sadd.s32 s4, s25  }
0xca: {  	(v2sf) =	vpush v0, $0xD;
	[tilespmem:s26], [sflag:$0x1] =	stream.linear.gather [hbm4b:s29+s2], $0x80, $0x38;
	[tilespmem:$0x10200] =	vst v63  }
0xcb: {  	s22 =	sadd.s32 s4, s31;
	s23 =	sand.u32 $0x1FFFFFF0, s28;
	s30 =	spop (v2sf)  }
0xcc: {  	(v2sf) =	vpush v0, $0xE;
	[tilespmem:s20], [sflag:$0x1] =	stream.linear.gather [hbm4b:s22+s2], $0x80, $0x38;
	[tilespmem:$0x10200] =	vst v63  }
0xcd: {  	s23 =	sadd.s32 s4, s23;
	s31 =	sand.u32 $0x1FFFFFF0, s30;
	s24 =	spop (v2sf)  }
0xce: {  	(v2sf) =	vpush v0, $0xF;
	[tilespmem:s5], [sflag:$0x1] =	stream.linear.gather [hbm4b:s23+s2], $0x80, $0x38;
	[tilespmem:$0x10200] =	vst v63  }
0xcf: {  	s25 =	sand.u32 $0x1FFFFFF0, s24;
	s26 =	spop (v2sf);
	s20 =	sadd.s32 s4, s31  }
0xd0: {  	[tilespmem:s21], [sflag:$0x1] =	stream.linear.gather [hbm4b:s20+s2], $0x80, $0x38;
	[tilespmem:$0x10200] =	vst v63  }
0xd1: {  	s28 =	sand.u32 $0x1FFFFFF0, s26;
	s5 =	sadd.s32 s4, s25;
	s29 =	spop (v2sf)  }
0xd2: {  	[tilespmem:s1], [sflag:$0x1] =	stream.linear.gather [hbm4b:s5+s2], $0x80, $0x38;
	[tilespmem:$0x10200] =	vst v63  }
0xd3: {  	s20 =	sadd.s32 s4, s28;
	s30 =	sand.u32 $0x1FFFFFF0, s29;
	s31 =	spop (v2sf)  }
0xd4: {  	[tilespmem:s10], [sflag:$0x1] =	stream.linear.gather [hbm4b:s20+s2], $0x80, $0x38;
	[tilespmem:$0x10200] =	vst v63  }
0xd5: {  	s5 =	sand.u32 $0x1FFFFFF0, s31;
	s1 =	sadd.s32 s4, s30;
	s20 =	spop (v2sf)  }
0xd6: {  	[tilespmem:s0], [sflag:$0x1] =	stream.linear.gather [hbm4b:s1+s2], $0x80, $0x38;
	[tilespmem:$0x10200] =	vst v63  }
0xd7: {  	s5 =	sadd.s32 s4, s5;
	s21 =	sand.u32 $0x1FFFFFF0, s20;
	s22 =	spop (v2sf)  }
0xd8: {  	[tilespmem:s11], [sflag:$0x1] =	stream.linear.gather [hbm4b:s5+s2], $0x80, $0x38;
	[tilespmem:$0x10200] =	vst v63  }
0xd9: {  	s0 =	sadd.s32 s4, s21;
	s1 =	sand.u32 $0x1FFFFFF0, s22;
	s23 =	spop (v2sf)  }
0xda: {  	[tilespmem:s19], [sflag:$0x1] =	stream.linear.gather [hbm4b:s0+s2], $0x80, $0x38;
	[tilespmem:$0x10200] =	vst v63  }
0xdb: {  	s24 =	sand.u32 $0x1FFFFFF0, s23;
	s1 =	sadd.s32 s4, s1;
	s25 =	spop (v2sf)  }
0xdc: {  	[tilespmem:s17], [sflag:$0x1] =	stream.linear.gather [hbm4b:s1+s2], $0x80, $0x38;
	[tilespmem:$0x10200] =	vst v63  }
0xdd: {  	s26 =	sand.u32 $0x1FFFFFF0, s25;
	s28 =	spop (v2sf);
	s0 =	sadd.s32 s4, s24  }
0xde: {  	[tilespmem:s18], [sflag:$0x1] =	stream.linear.gather [hbm4b:s0+s2], $0x80, $0x38;
	[tilespmem:$0x10200] =	vst v63  }
0xdf: {  	s30 =	sadd.s32 $0x900, s16;
	s29 =	sand.u32 $0x1FFFFFF0, s28;
	s1 =	sadd.s32 s4, s26  }
0xe0: {  	[tilespmem:s30], [sflag:$0x1] =	stream.linear.gather [hbm4b:s1+s2], $0x80, $0x38;
	[tilespmem:$0x10200] =	vst v63  }
0xe1: {  	s31 =	sadd.s32 $0x980, s16;
	s0 =	sadd.s32 s4, s29  }
0xe2: {  	[tilespmem:s31], [sflag:$0x1] =	stream.linear.gather [hbm4b:s0+s2], $0x80, $0x38;
	[tilespmem:$0x10200] =	vst v63  }
0xe3: {  	s15 =	sadd.s32 $0x1, s15;
	_ =	swait.ge [sflag:s13], $0x10000  }
0xe4: {  	p0 =	sne.s32 s15, s9;
	[sflag:s13] =	ssyncset.done $0x0  }
.Ltmp2:
0xe5: {  	[sflag:s13] =	ssyncadd.s32 $0xFFFF0000;
	(pc) =	sbr.rel @p0 .LBB2_1-.Ltmp2, $4  }
0xe6: {  	[hbm4b:s8+s2] =	stream.linear.scatter [tilespmem:s14], [sflag:$0x2], $0x10000, $0x38;
	[tilespmem:$0x10200] =	vst v63  }
0xe7: {  	_ =	swait.ge [sflag:s12], $0x10000  }
0xe8: {  	[sflag:s12] =	ssyncset.done $0x0  }
0xe9: {  	[sflag:s12] =	ssyncadd.s32 $0xFFFF0000  }
0xea: {  	_ =	sfence.sel $0x180000  }
0xeb: {  	[bflag:$0x0] =	sbarrier.arrive $0xFFFF  }
0xec: {  	_ =	strace $0x90000047  }
0xed: {  	s0 =	stileid.u32;
	[bflag:$0x2] =	sbarrier.arrive $0xFFFF  }
0xee: {  	p0 =	sne.s32 s0, $0x0;
	s0 =	rddreg [dreg:$0x2]  }
0xef: {  	s0 =	sadd.s32 @!p0 $0x100000, s0  }
0xf0: {  	[sflag:s0] =	ssyncadd.tile.s32 @!p0 $0x1;
	_ =	shalt  }
.Lfunc_end2:
_tile_overlayer_lowered:
.L_overlay_start_2:
0xf1: {  	(tag) =	ssettag $0x2  }
0xf2: {  	s0 =	rddreg [dreg:$0x0];
	s2 =	stileid.u32  }
0xf3: {  	s1 =	rddreg [dreg:$0x1];
	p0 =	sne.s32 s2, $0x0  }
0xf4: {  	s3 =	rddreg [dreg:$0x2];
	[bflag:$0x3] =	sbarrier.arrive $0xFFFF;
	s2 =	simm.s32 @!p0 $0x1C02  }
0xf5: {  	[timem:s3], [sflag:s2] =	dma.local @!p0 [hbm:s0], s1  }
0xf6: {  	s0 =	simm.s32 @!p0 $0x2  }
0xf7: {  	_ =	swait.ge @!p0 [sflag:s0], s1  }
0xf8: {  	s1 =	ssub.s32 @!p0 $0x0, s1;
	[sflag:s0] =	ssyncset.done @!p0 $0x0  }
0xf9: {  	[sflag:s0] =	ssyncadd.s32 @!p0 s1  }
0xfa: {  	[bflag:$0x3] =	sbarrier.arrive $0xFFFF  }
0xfb: {  	_ =	shalt  }

</sc_bundles>
